<compile_context>
chip_gen: v7x
topology: tpu7x:2x2x1
jax: 0.10.2.dev20260603
libtpu: 0.0.44.dev20260713+nightly
codegen_flags: <defaults>
</compile_context>

<pallas_src>
import functools

import jax
import jax.numpy as jnp
from jax import lax
from jax.experimental import pallas as pl
from jax.experimental.pallas import tpu as pltpu
from jax.experimental.pallas import tpu_sc as plsc

N_NODES = 10000
NC, NS = 2, 16
NW = NC * NS
ACC_ROWS = 10240
E_EDGES = 320000
CHUNK = 128
EDGE_CHUNKS_PER_TILE = 80
PAD_EDGES = NW * EDGE_CHUNKS_PER_TILE * CHUNK
EMB_D = 256
B, L = 256, 512
TOK_CHUNKS_PER_TILE = (B * L) // (NW * CHUNK)


@functools.cache
def _get_mesh():
    return plsc.VectorSubcoreMesh(
        core_axis_name="c", subcore_axis_name="s",
        num_cores=NC, num_subcores=NS)


@functools.cache
def _make_emb_gather():
    @functools.partial(
        pl.kernel,
        out_type=jax.ShapeDtypeStruct((B * L, EMB_D), jnp.float32),
        mesh=_get_mesh(),
        scratch_types=[
            pltpu.VMEM((TOK_CHUNKS_PER_TILE, CHUNK), jnp.int32),
            pltpu.VMEM((CHUNK, EMB_D), jnp.float32),
            pltpu.SemaphoreType.DMA,
        ],
    )
    def _emb_gather(tok_hbm, table_hbm, out_hbm, idx_v, rows_v, sem):
        c = lax.axis_index("c")
        s = lax.axis_index("s")
        wid = s * NC + c
        pltpu.sync_copy(tok_hbm.at[pl.ds(wid * TOK_CHUNKS_PER_TILE,
                                         TOK_CHUNKS_PER_TILE)], idx_v)

        def chunk(j, carry):
            pltpu.async_copy(table_hbm.at[idx_v.at[j]], rows_v, sem).wait()
            pltpu.sync_copy(
                rows_v,
                out_hbm.at[pl.ds((wid * TOK_CHUNKS_PER_TILE + j) * CHUNK,
                                 CHUNK)])
            return carry

        lax.fori_loop(0, TOK_CHUNKS_PER_TILE, chunk, 0)

    return _emb_gather



@functools.cache
def _make_segsum(n_tables):
    out_type = tuple(
        jax.ShapeDtypeStruct((NC, ACC_ROWS, 128), jnp.float32)
        for _ in range(n_tables))
    if n_tables == 1:
        out_type = out_type[0]
    scratch = [
        pltpu.VMEM((EDGE_CHUNKS_PER_TILE, CHUNK), jnp.int32),
        pltpu.VMEM((EDGE_CHUNKS_PER_TILE, CHUNK), jnp.int32),
        pltpu.VMEM((CHUNK, 128), jnp.float32),
        pltpu.VMEM_SHARED((ACC_ROWS, 128), jnp.float32),
        pltpu.SemaphoreType.DMA,
    ]

    @functools.partial(pl.kernel, out_type=out_type, mesh=_get_mesh(),
                       scratch_types=scratch)
    def seg(src_hbm, dst_hbm, zero_hbm, *rest):
        tables = rest[:n_tables]
        outs = rest[n_tables:2 * n_tables]
        sidx, didx, rows, acc, sem = rest[2 * n_tables:]
        c = lax.axis_index("c")
        s = lax.axis_index("s")
        wid = s * NC + c
        pltpu.sync_copy(
            src_hbm.at[pl.ds(wid * EDGE_CHUNKS_PER_TILE,
                             EDGE_CHUNKS_PER_TILE)], sidx)
        pltpu.sync_copy(
            dst_hbm.at[pl.ds(wid * EDGE_CHUNKS_PER_TILE,
                             EDGE_CHUNKS_PER_TILE)], didx)
        for t in range(n_tables):
            for blk in range(5):
                pltpu.sync_copy(zero_hbm,
                                acc.at[pl.ds((s * 5 + blk) * 128, 128)])
            plsc.subcore_barrier()

            def chunk(j, carry):
                pltpu.async_copy(tables[t].at[sidx.at[j]], rows, sem).wait()
                pltpu.sync_copy(rows, acc.at[didx.at[j]], add=True)
                return carry

            lax.fori_loop(0, EDGE_CHUNKS_PER_TILE, chunk, 0)
            plsc.subcore_barrier()
            pltpu.sync_copy(acc.at[pl.ds(s * 640, 640)],
                            outs[t].at[c, pl.ds(s * 640, 640)])
            if t + 1 < n_tables:
                plsc.subcore_barrier()

    return seg



def _lmax_body(seq_ref, o_ref):
    cnt = jnp.sum((seq_ref[...] != 0).astype(jnp.int32), axis=1)
    o_ref[0, 0] = jnp.max(cnt)


def _conv_body(e_ref, w_ref, b_ref, lm_ref, o_ref):
    p = jnp.dot(e_ref[...], w_ref[...], preferred_element_type=jnp.float32)
    lmax = lm_ref[0, 0]
    pos = lax.broadcasted_iota(jnp.int32, (L, 128), 0)
    off = 0
    for ki, k in enumerate((3, 4, 5)):
        acc = p[:, off * 128:(off + 1) * 128]
        for j in range(1, k):
            col = (off + j) * 128
            blkj = p[:, col:col + 128]
            acc = acc + jnp.concatenate(
                [blkj[j:, :], jnp.zeros((j, 128), jnp.float32)], axis=0)
        off += k
        cval = jnp.maximum(acc + b_ref[0, ki * 128:(ki + 1) * 128][None, :],
                           0.0)
        cval = jnp.where(pos <= lmax - k, cval, -jnp.inf)
        o_ref[0, 0, ki * 128:(ki + 1) * 128] = jnp.max(cval, axis=0)


def _fc_body(x_ref, w_ref, b_ref, o_ref):
    o_ref[...] = jax.nn.sigmoid(
        jnp.dot(x_ref[...], w_ref[...], preferred_element_type=jnp.float32)
        + b_ref[...])


def _gcn1_body(p0_ref, p1_ref, w_ref, b_ref, oa_ref, ob_ref):
    h = p0_ref[...] + p1_ref[...]
    h1 = jnp.maximum(
        jnp.dot(h, w_ref[...], preferred_element_type=jnp.float32)
        + b_ref[...], 0.0)
    oa_ref[...] = h1[:, :128]
    ob_ref[...] = h1[:, 128:]


def _final_body(qa0_ref, qa1_ref, qb0_ref, qb1_ref, wa_ref, wb_ref, b_ref,
                xc_ref, o_ref):
    ha = qa0_ref[...] + qa1_ref[...]
    hb = qb0_ref[...] + qb1_ref[...]
    label = (jnp.dot(ha, wa_ref[...], preferred_element_type=jnp.float32)
             + jnp.dot(hb, wb_ref[...], preferred_element_type=jnp.float32)
             + b_ref[...])
    t = lax.dot_general(xc_ref[...], label, (((1,), (1,)), ((), ())),
                        preferred_element_type=jnp.float32)
    o_ref[0] = jax.nn.sigmoid(t)


def kernel(input_seq, edge_index, features, emb_table, W_conv3, b_conv3,
           W_conv4, b_conv4, W_conv5, b_conv5, W_fc, b_fc, W_g1, b_g1,
           W_g2, b_g2):
    f32 = jnp.float32
    i32 = jnp.int32

    tok = input_seq.astype(i32).reshape(-1, CHUNK)
    table = jnp.pad(emb_table.astype(f32), ((0, 0), (0, EMB_D - 200)))
    src = edge_index[0].astype(i32)
    dst = edge_index[1].astype(i32)
    npad = PAD_EDGES - E_EDGES
    srcp = jnp.concatenate([src, jnp.zeros((npad,), i32)]).reshape(-1, CHUNK)
    dstp = jnp.concatenate([dst, jnp.full((npad,), N_NODES, i32)]
                           ).reshape(-1, CHUNK)
    zeros128 = jnp.zeros((CHUNK, 128), f32)
    ws = []
    for W in (W_conv3, W_conv4, W_conv5):
        wt = jnp.transpose(W[:, 0], (1, 2, 0))
        ws.extend([wt[j] for j in range(wt.shape[0])])
    w_all = jnp.pad(jnp.concatenate(ws, axis=1),
                    ((0, EMB_D - 200), (0, 0)))
    bcat = jnp.concatenate([b_conv3, b_conv4, b_conv5]).reshape(1, 384)

    lmax = pl.pallas_call(
        _lmax_body,
        out_shape=jax.ShapeDtypeStruct((1, 1), i32),
        in_specs=[pl.BlockSpec((B, L), lambda: (0, 0))],
        out_specs=pl.BlockSpec(memory_space=pltpu.SMEM),
    )(input_seq.astype(i32))

    emb = _make_emb_gather()(tok, table)

    xcat3 = pl.pallas_call(
        _conv_body,
        grid=(B,),
        out_shape=jax.ShapeDtypeStruct((B, 1, 384), f32),
        in_specs=[
            pl.BlockSpec((L, EMB_D), lambda i: (i, 0)),
            pl.BlockSpec((EMB_D, 1536), lambda i: (0, 0)),
            pl.BlockSpec((1, 384), lambda i: (0, 0)),
            pl.BlockSpec((1, 1), lambda i: (0, 0)),
        ],
        out_specs=pl.BlockSpec((1, 1, 384), lambda i: (i, 0, 0)),
    )(emb, w_all, bcat, lmax)

    x_cnn = pl.pallas_call(
        _fc_body,
        out_shape=jax.ShapeDtypeStruct((B, 256), f32),
        in_specs=[
            pl.BlockSpec((B, 384), lambda: (0, 0)),
            pl.BlockSpec((384, 256), lambda: (0, 0)),
            pl.BlockSpec((1, 256), lambda: (0, 0)),
        ],
        out_specs=pl.BlockSpec((B, 256), lambda: (0, 0)),
    )(xcat3.reshape(B, 384), W_fc, b_fc.reshape(1, 256))

    p = _make_segsum(1)(srcp, dstp, zeros128, features)

    h1a, h1b = pl.pallas_call(
        _gcn1_body,
        grid=(10,),
        out_shape=(jax.ShapeDtypeStruct((N_NODES, 128), f32),
                   jax.ShapeDtypeStruct((N_NODES, 128), f32)),
        in_specs=[
            pl.BlockSpec((1000, 128), lambda i: (i, 0)),
            pl.BlockSpec((1000, 128), lambda i: (i, 0)),
            pl.BlockSpec((128, 256), lambda i: (0, 0)),
            pl.BlockSpec((1, 256), lambda i: (0, 0)),
        ],
        out_specs=(pl.BlockSpec((1000, 128), lambda i: (i, 0)),
                   pl.BlockSpec((1000, 128), lambda i: (i, 0))),
    )(p[0], p[1], W_g1, b_g1.reshape(1, 256))

    qa, qb = _make_segsum(2)(srcp, dstp, zeros128, h1a, h1b)

    out = pl.pallas_call(
        _final_body,
        grid=(10,),
        out_shape=jax.ShapeDtypeStruct((10, B, 1000), f32),
        in_specs=[
            pl.BlockSpec((1000, 128), lambda i: (i, 0)),
            pl.BlockSpec((1000, 128), lambda i: (i, 0)),
            pl.BlockSpec((1000, 128), lambda i: (i, 0)),
            pl.BlockSpec((1000, 128), lambda i: (i, 0)),
            pl.BlockSpec((128, 256), lambda i: (0, 0)),
            pl.BlockSpec((128, 256), lambda i: (0, 0)),
            pl.BlockSpec((1, 256), lambda i: (0, 0)),
            pl.BlockSpec((B, 256), lambda i: (0, 0)),
        ],
        out_specs=pl.BlockSpec((1, B, 1000), lambda i: (i, 0, 0)),
    )(qa[0], qa[1], qb[0], qb[1], W_g2[:128], W_g2[128:],
      b_g2.reshape(1, 256), x_cnn)

    return out.transpose(1, 0, 2).reshape(B, N_NODES)

# --- scband reference (transcript-rebuilt; emitter-appended) ---
"""Pipeline reference for scband-me-sh-gcn-old-69415261438487 (READ-ONLY COPY).

The authoritative reference and input builder live on the scoring server;
editing this copy changes nothing except your own understanding.
"""

import jax, jax.numpy as jnp
import numpy as np

N_NODES = 10000

def setup_inputs(seed: int = 0) -> dict:
    key = jax.random.key(seed)
    ks = jax.random.split(key, 16)
    input_seq = jax.random.randint(ks[0], (256, 512), 0, 30000)
    edge_index = jax.random.randint(ks[1], (2, 320000), 0, N_NODES)
    features = jax.random.normal(ks[2], (N_NODES, 128), dtype=jnp.float32)
    emb_table = jax.random.normal(ks[3], (30000, 200), dtype=jnp.float32) * 0.02
    W_conv3 = jax.random.normal(ks[4], (128, 1, 3, 200), dtype=jnp.float32) * 0.05
    b_conv3 = jnp.zeros((128,), dtype=jnp.float32)
    W_conv4 = jax.random.normal(ks[5], (128, 1, 4, 200), dtype=jnp.float32) * 0.05
    b_conv4 = jnp.zeros((128,), dtype=jnp.float32)
    W_conv5 = jax.random.normal(ks[6], (128, 1, 5, 200), dtype=jnp.float32) * 0.05
    b_conv5 = jnp.zeros((128,), dtype=jnp.float32)
    W_fc = jax.random.normal(ks[7], (384, 256), dtype=jnp.float32) * 0.05
    b_fc = jnp.zeros((256,), dtype=jnp.float32)
    W_g1 = jax.random.normal(ks[8], (128, 256), dtype=jnp.float32) * 0.05
    b_g1 = jnp.zeros((256,), dtype=jnp.float32)
    W_g2 = jax.random.normal(ks[9], (256, 256), dtype=jnp.float32) * 0.05
    b_g2 = jnp.zeros((256,), dtype=jnp.float32)
    return {"input_seq": input_seq, "edge_index": edge_index, "features": features,
            "emb_table": emb_table, "W_conv3": W_conv3, "b_conv3": b_conv3,
            "W_conv4": W_conv4, "b_conv4": b_conv4, "W_conv5": W_conv5, "b_conv5": b_conv5,
            "W_fc": W_fc, "b_fc": b_fc, "W_g1": W_g1, "b_g1": b_g1, "W_g2": W_g2, "b_g2": b_g2}

def _conv2d(x, w, b):
    out = jax.lax.conv_general_dilated(x, w, window_strides=(1, 1), padding='VALID',
                                       dimension_numbers=('NCHW', 'OIHW', 'NCHW'))
    return out + b[None, :, None, None]

def reference(input_seq, edge_index, features, emb_table, W_conv3, b_conv3, W_conv4, b_conv4,
              W_conv5, b_conv5, W_fc, b_fc, W_g1, b_g1, W_g2, b_g2):
    # ---- CNN text branch (dropout is identity at inference) ----
    lengths = jnp.sum(input_seq != 0, axis=-1)
    Lmax = jnp.max(lengths)
    emb = jnp.take(emb_table, input_seq, axis=0)                      # [B, L, 200]
    x = emb[:, None, :, :]                                            # [B, 1, L, 200]
    pooled = []
    for W, b in ((W_conv3, b_conv3), (W_conv4, b_conv4), (W_conv5, b_conv5)):
        k = W.shape[2]
        c = jax.nn.relu(_conv2d(x, W, b))[..., 0]                     # [B, nK, L']
        pos = jnp.arange(c.shape[-1])
        c = jnp.where(pos <= Lmax - k, c, -jnp.inf)
        pooled.append(jnp.max(c, axis=2))                             # [B, nK]
    xcat = jnp.concatenate(pooled, axis=1)                            # [B, 384]
    x_cnn = jax.nn.sigmoid(xcat @ W_fc + b_fc)                        # [B, 256]
    # ---- GCN label branch: copy_src + sum == scatter-add of src feats to dst ----
    src = edge_index[0]
    dst = edge_index[1]
    h = jax.ops.segment_sum(features[src], dst, num_segments=N_NODES)  # [N, 128]
    h1 = jax.nn.relu(h @ W_g1 + b_g1)                                  # [N, 256]
    h2 = jax.ops.segment_sum(h1[src], dst, num_segments=N_NODES)      # [N, 256]
    label = h2 @ W_g2 + b_g2                                           # [N, 256]
    # ---- combine ----
    out = jax.nn.sigmoid(x_cnn @ label.T)                              # [B, N]
    return out

if __name__ == "__main__":
    import jax
    _d = setup_inputs()
    print(jax.jit(kernel)(*tuple(_d.values())))

</pallas_src>

<mosaic_0001>
#map = affine_map<(d0, d1) -> (0, 0)>
module attributes {stable_mosaic.version = 14 : i64} {
  func.func @_emb_gather(%arg0: i32, %arg1: i32, %arg2: memref<1024x128xi32, #tpu.memory_space<hbm>>, %arg3: memref<30000x256xf32, #tpu.memory_space<hbm>>, %arg4: memref<131072x256xf32, #tpu.memory_space<hbm>>, %arg5: memref<32x128xi32, #tpu.memory_space<vmem>>, %arg6: memref<128x256xf32, #tpu.memory_space<vmem>>, %arg7: memref<!tpu.dma_semaphore, #tpu.memory_space<semaphore_mem>>) attributes {dimension_semantics = [#tpu.dimension_semantics<core_parallel>, #tpu.dimension_semantics<subcore_parallel>], iteration_bounds = array<i64: 2, 16>, scalar_prefetch = 0 : i64, scratch_operands = 3 : i64, tpu.core_type = #tpu.core_type<sc_vector_subcore>, window_params = [{transform_indices = #map}, {transform_indices = #map}, {transform_indices = #map}]} {
    %mul3A = arith.constant 2 : i32
    %mul3A_0 = arith.muli %arg1, %mul3A : i32
    %add3A = arith.addi %mul3A_0, %arg0 : i32
    %mul3A_1 = arith.constant 32 : i32
    %mul3A_2 = arith.muli %add3A, %mul3A_1 : i32
    "tpu.region"() ({
      %run_scoped3A = tpu.sem_alloc : memref<!tpu.dma_semaphore, #tpu.memory_space<semaphore_mem>>
      %dma_start3A = arith.constant 0 : i32
      %dma_start3A_8 = tpu.memref_slice %arg2[%mul3A_2, %dma_start3A] : memref<1024x128xi32, #tpu.memory_space<hbm>> -> memref<32x128xi32, #tpu.memory_space<hbm>>
      %dma_start3A_9 = arith.constant 0 : i32
      %dma_start3A_10 = tpu.memref_slice %arg2[%mul3A_2, %dma_start3A_9] : memref<1024x128xi32, #tpu.memory_space<hbm>> -> memref<32x128xi32, #tpu.memory_space<hbm>>
      tpu.enqueue_dma source(%dma_start3A_10 : memref<32x128xi32, #tpu.memory_space<hbm>>) target(%arg5 : memref<32x128xi32, #tpu.memory_space<vmem>>) target_semaphore(%run_scoped3A : memref<!tpu.dma_semaphore, #tpu.memory_space<semaphore_mem>>)
      %dma_wait3A = arith.constant 0 : i32
      %dma_wait3A_11 = tpu.memref_slice %arg2[%mul3A_2, %dma_wait3A] : memref<1024x128xi32, #tpu.memory_space<hbm>> -> memref<32x128xi32, #tpu.memory_space<hbm>>
      %dma_wait3A_12 = arith.constant 0 : i32
      %dma_wait3A_13 = tpu.memref_slice %arg2[%mul3A_2, %dma_wait3A_12] : memref<1024x128xi32, #tpu.memory_space<hbm>> -> memref<32x128xi32, #tpu.memory_space<hbm>>
      tpu.wait_dma2 semaphore(%run_scoped3A : memref<!tpu.dma_semaphore, #tpu.memory_space<semaphore_mem>>) src(%dma_wait3A_13 : memref<32x128xi32, #tpu.memory_space<hbm>>) dst(%arg5 : memref<32x128xi32, #tpu.memory_space<vmem>>)
      tpu.yield
    }) : () -> ()
    %scan3A = arith.constant 0 : i32
    %scan3A_3 = arith.constant 0 : i32
    %scan3A_4 = arith.constant 32 : i32
    %scan3A_5 = arith.addi %scan3A_3, %scan3A_4 : i32
    %scan3A_6 = arith.constant 1 : i32
    scf.for %scan3A_8 = %scan3A_3 to %scan3A_5 step %scan3A_6  : i32 {
      %dma_start3A = arith.constant 0 : i32
      %dma_start3A_9 = tpu.memref_slice %arg5[%scan3A_8, %dma_start3A] : memref<32x128xi32, #tpu.memory_space<vmem>> -> memref<1x128xi32, #tpu.memory_space<vmem>>
      %dma_start3A_10 = tpu.memref_squeeze %dma_start3A_9 : memref<1x128xi32, #tpu.memory_space<vmem>> -> memref<128xi32, #tpu.memory_space<vmem>>
      %dma_start3A_11 = arith.constant 0 : i32
      %dma_start3A_12 = arith.constant 0 : i32
      %dma_start3A_13 = tpu.memref_slice %arg3[%dma_start3A_11, %dma_start3A_12] : memref<30000x256xf32, #tpu.memory_space<hbm>> -> memref<30000x256xf32, #tpu.memory_space<hbm>>
      tpu.enqueue_indirect_dma source(%dma_start3A_13 : memref<30000x256xf32, #tpu.memory_space<hbm>>) target(%arg6 : memref<128x256xf32, #tpu.memory_space<vmem>>) offsets(%dma_start3A_10 : memref<128xi32, #tpu.memory_space<vmem>>) semaphore(%arg7 : memref<!tpu.dma_semaphore, #tpu.memory_space<semaphore_mem>>)
      %dma_wait3A = arith.constant 0 : i32
      %dma_wait3A_14 = tpu.memref_slice %arg5[%scan3A_8, %dma_wait3A] : memref<32x128xi32, #tpu.memory_space<vmem>> -> memref<1x128xi32, #tpu.memory_space<vmem>>
      %dma_wait3A_15 = tpu.memref_squeeze %dma_wait3A_14 : memref<1x128xi32, #tpu.memory_space<vmem>> -> memref<128xi32, #tpu.memory_space<vmem>>
      %dma_wait3A_16 = arith.constant 0 : i32
      %dma_wait3A_17 = arith.constant 0 : i32
      %dma_wait3A_18 = tpu.memref_slice %arg3[%dma_wait3A_16, %dma_wait3A_17] : memref<30000x256xf32, #tpu.memory_space<hbm>> -> memref<30000x256xf32, #tpu.memory_space<hbm>>
      tpu.wait_indirect_dma semaphore(%arg7 : memref<!tpu.dma_semaphore, #tpu.memory_space<semaphore_mem>>) src(%dma_wait3A_18 : memref<30000x256xf32, #tpu.memory_space<hbm>>) dst(%arg6 : memref<128x256xf32, #tpu.memory_space<vmem>>)
      %mul3A_19 = arith.constant 32 : i32
      %mul3A_20 = arith.muli %add3A, %mul3A_19 : i32
      %add3A_21 = arith.addi %mul3A_20, %scan3A_8 : i32
      %mul3A_22 = arith.constant 128 : i32
      %mul3A_23 = arith.muli %add3A_21, %mul3A_22 : i32
      "tpu.region"() ({
        %run_scoped3A = tpu.sem_alloc : memref<!tpu.dma_semaphore, #tpu.memory_space<semaphore_mem>>
        %dma_start3A_24 = arith.constant 0 : i32
        %dma_start3A_25 = tpu.memref_slice %arg4[%mul3A_23, %dma_start3A_24] : memref<131072x256xf32, #tpu.memory_space<hbm>> -> memref<128x256xf32, #tpu.memory_space<hbm>>
        %dma_start3A_26 = arith.constant 0 : i32
        %dma_start3A_27 = tpu.memref_slice %arg4[%mul3A_23, %dma_start3A_26] : memref<131072x256xf32, #tpu.memory_space<hbm>> -> memref<128x256xf32, #tpu.memory_space<hbm>>
        tpu.enqueue_dma source(%arg6 : memref<128x256xf32, #tpu.memory_space<vmem>>) target(%dma_start3A_27 : memref<128x256xf32, #tpu.memory_space<hbm>>) target_semaphore(%run_scoped3A : memref<!tpu.dma_semaphore, #tpu.memory_space<semaphore_mem>>)
        %dma_wait3A_28 = arith.constant 0 : i32
        %dma_wait3A_29 = tpu.memref_slice %arg4[%mul3A_23, %dma_wait3A_28] : memref<131072x256xf32, #tpu.memory_space<hbm>> -> memref<128x256xf32, #tpu.memory_space<hbm>>
        %dma_wait3A_30 = arith.constant 0 : i32
        %dma_wait3A_31 = tpu.memref_slice %arg4[%mul3A_23, %dma_wait3A_30] : memref<131072x256xf32, #tpu.memory_space<hbm>> -> memref<128x256xf32, #tpu.memory_space<hbm>>
        tpu.wait_dma2 semaphore(%run_scoped3A : memref<!tpu.dma_semaphore, #tpu.memory_space<semaphore_mem>>) src(%arg6 : memref<128x256xf32, #tpu.memory_space<vmem>>) dst(%dma_wait3A_31 : memref<128x256xf32, #tpu.memory_space<hbm>>)
        tpu.yield
      }) : () -> ()
    }
    %scan3A_7 = arith.constant 32 : i32
    return
  }
}

#map = affine_map<(d0, d1) -> (0, 0)>
#map1 = affine_map<(d0, d1) -> (0, 0, 0)>
module attributes {stable_mosaic.version = 14 : i64} {
  func.func @seg(%arg0: i32, %arg1: i32, %arg2: memref<2560x128xi32, #tpu.memory_space<hbm>>, %arg3: memref<2560x128xi32, #tpu.memory_space<hbm>>, %arg4: memref<128x128xf32, #tpu.memory_space<hbm>>, %arg5: memref<10000x128xf32, #tpu.memory_space<hbm>>, %arg6: memref<2x10240x128xf32, #tpu.memory_space<hbm>>, %arg7: memref<80x128xi32, #tpu.memory_space<vmem>>, %arg8: memref<80x128xi32, #tpu.memory_space<vmem>>, %arg9: memref<128x128xf32, #tpu.memory_space<vmem>>, %arg10: memref<10240x128xf32, #tpu.memory_space<vmem_shared>>, %arg11: memref<!tpu.dma_semaphore, #tpu.memory_space<semaphore_mem>>) attributes {dimension_semantics = [#tpu.dimension_semantics<core_parallel>, #tpu.dimension_semantics<subcore_parallel>], iteration_bounds = array<i64: 2, 16>, scalar_prefetch = 0 : i64, scratch_operands = 5 : i64, tpu.core_type = #tpu.core_type<sc_vector_subcore>, window_params = [{transform_indices = #map}, {transform_indices = #map}, {transform_indices = #map}, {transform_indices = #map}, {transform_indices = #map1}]} {
    %mul3A = arith.constant 2 : i32
    %mul3A_0 = arith.muli %arg1, %mul3A : i32
    %add3A = arith.addi %mul3A_0, %arg0 : i32
    %mul3A_1 = arith.constant 80 : i32
    %mul3A_2 = arith.muli %add3A, %mul3A_1 : i32
    "tpu.region"() ({
      %run_scoped3A = tpu.sem_alloc : memref<!tpu.dma_semaphore, #tpu.memory_space<semaphore_mem>>
      %dma_start3A = arith.constant 0 : i32
      %dma_start3A_45 = tpu.memref_slice %arg2[%mul3A_2, %dma_start3A] : memref<2560x128xi32, #tpu.memory_space<hbm>> -> memref<80x128xi32, #tpu.memory_space<hbm>>
      %dma_start3A_46 = arith.constant 0 : i32
      %dma_start3A_47 = tpu.memref_slice %arg2[%mul3A_2, %dma_start3A_46] : memref<2560x128xi32, #tpu.memory_space<hbm>> -> memref<80x128xi32, #tpu.memory_space<hbm>>
      tpu.enqueue_dma source(%dma_start3A_47 : memref<80x128xi32, #tpu.memory_space<hbm>>) target(%arg7 : memref<80x128xi32, #tpu.memory_space<vmem>>) target_semaphore(%run_scoped3A : memref<!tpu.dma_semaphore, #tpu.memory_space<semaphore_mem>>)
      %dma_wait3A = arith.constant 0 : i32
      %dma_wait3A_48 = tpu.memref_slice %arg2[%mul3A_2, %dma_wait3A] : memref<2560x128xi32, #tpu.memory_space<hbm>> -> memref<80x128xi32, #tpu.memory_space<hbm>>
      %dma_wait3A_49 = arith.constant 0 : i32
      %dma_wait3A_50 = tpu.memref_slice %arg2[%mul3A_2, %dma_wait3A_49] : memref<2560x128xi32, #tpu.memory_space<hbm>> -> memref<80x128xi32, #tpu.memory_space<hbm>>
      tpu.wait_dma2 semaphore(%run_scoped3A : memref<!tpu.dma_semaphore, #tpu.memory_space<semaphore_mem>>) src(%dma_wait3A_50 : memref<80x128xi32, #tpu.memory_space<hbm>>) dst(%arg7 : memref<80x128xi32, #tpu.memory_space<vmem>>)
      tpu.yield
    }) : () -> ()
    %mul3A_3 = arith.constant 80 : i32
    %mul3A_4 = arith.muli %add3A, %mul3A_3 : i32
    "tpu.region"() ({
      %run_scoped3A = tpu.sem_alloc : memref<!tpu.dma_semaphore, #tpu.memory_space<semaphore_mem>>
      %dma_start3A = arith.constant 0 : i32
      %dma_start3A_45 = tpu.memref_slice %arg3[%mul3A_4, %dma_start3A] : memref<2560x128xi32, #tpu.memory_space<hbm>> -> memref<80x128xi32, #tpu.memory_space<hbm>>
      %dma_start3A_46 = arith.constant 0 : i32
      %dma_start3A_47 = tpu.memref_slice %arg3[%mul3A_4, %dma_start3A_46] : memref<2560x128xi32, #tpu.memory_space<hbm>> -> memref<80x128xi32, #tpu.memory_space<hbm>>
      tpu.enqueue_dma source(%dma_start3A_47 : memref<80x128xi32, #tpu.memory_space<hbm>>) target(%arg8 : memref<80x128xi32, #tpu.memory_space<vmem>>) target_semaphore(%run_scoped3A : memref<!tpu.dma_semaphore, #tpu.memory_space<semaphore_mem>>)
      %dma_wait3A = arith.constant 0 : i32
      %dma_wait3A_48 = tpu.memref_slice %arg3[%mul3A_4, %dma_wait3A] : memref<2560x128xi32, #tpu.memory_space<hbm>> -> memref<80x128xi32, #tpu.memory_space<hbm>>
      %dma_wait3A_49 = arith.constant 0 : i32
      %dma_wait3A_50 = tpu.memref_slice %arg3[%mul3A_4, %dma_wait3A_49] : memref<2560x128xi32, #tpu.memory_space<hbm>> -> memref<80x128xi32, #tpu.memory_space<hbm>>
      tpu.wait_dma2 semaphore(%run_scoped3A : memref<!tpu.dma_semaphore, #tpu.memory_space<semaphore_mem>>) src(%dma_wait3A_50 : memref<80x128xi32, #tpu.memory_space<hbm>>) dst(%arg8 : memref<80x128xi32, #tpu.memory_space<vmem>>)
      tpu.yield
    }) : () -> ()
    %mul3A_5 = arith.constant 5 : i32
    %mul3A_6 = arith.muli %arg1, %mul3A_5 : i32
    %add3A_7 = arith.constant 0 : i32
    %add3A_8 = arith.addi %mul3A_6, %add3A_7 : i32
    %mul3A_9 = arith.constant 128 : i32
    %mul3A_10 = arith.muli %add3A_8, %mul3A_9 : i32
    "tpu.region"() ({
      %run_scoped3A = tpu.sem_alloc : memref<!tpu.dma_semaphore, #tpu.memory_space<semaphore_mem>>
      %dma_start3A = arith.constant 0 : i32
      %dma_start3A_45 = tpu.memref_slice %arg10[%mul3A_10, %dma_start3A] : memref<10240x128xf32, #tpu.memory_space<vmem_shared>> -> memref<128x128xf32, #tpu.memory_space<vmem_shared>>
      tpu.enqueue_dma source(%arg4 : memref<128x128xf32, #tpu.memory_space<hbm>>) target(%dma_start3A_45 : memref<128x128xf32, #tpu.memory_space<vmem_shared>>) target_semaphore(%run_scoped3A : memref<!tpu.dma_semaphore, #tpu.memory_space<semaphore_mem>>)
      %dma_wait3A = arith.constant 0 : i32
      %dma_wait3A_46 = tpu.memref_slice %arg10[%mul3A_10, %dma_wait3A] : memref<10240x128xf32, #tpu.memory_space<vmem_shared>> -> memref<128x128xf32, #tpu.memory_space<vmem_shared>>
      tpu.wait_dma2 semaphore(%run_scoped3A : memref<!tpu.dma_semaphore, #tpu.memory_space<semaphore_mem>>) src(%arg4 : memref<128x128xf32, #tpu.memory_space<hbm>>) dst(%dma_wait3A_46 : memref<128x128xf32, #tpu.memory_space<vmem_shared>>)
      tpu.yield
    }) : () -> ()
    %mul3A_11 = arith.constant 5 : i32
    %mul3A_12 = arith.muli %arg1, %mul3A_11 : i32
    %add3A_13 = arith.constant 1 : i32
    %add3A_14 = arith.addi %mul3A_12, %add3A_13 : i32
    %mul3A_15 = arith.constant 128 : i32
    %mul3A_16 = arith.muli %add3A_14, %mul3A_15 : i32
    "tpu.region"() ({
      %run_scoped3A = tpu.sem_alloc : memref<!tpu.dma_semaphore, #tpu.memory_space<semaphore_mem>>
      %dma_start3A = arith.constant 0 : i32
      %dma_start3A_45 = tpu.memref_slice %arg10[%mul3A_16, %dma_start3A] : memref<10240x128xf32, #tpu.memory_space<vmem_shared>> -> memref<128x128xf32, #tpu.memory_space<vmem_shared>>
      tpu.enqueue_dma source(%arg4 : memref<128x128xf32, #tpu.memory_space<hbm>>) target(%dma_start3A_45 : memref<128x128xf32, #tpu.memory_space<vmem_shared>>) target_semaphore(%run_scoped3A : memref<!tpu.dma_semaphore, #tpu.memory_space<semaphore_mem>>)
      %dma_wait3A = arith.constant 0 : i32
      %dma_wait3A_46 = tpu.memref_slice %arg10[%mul3A_16, %dma_wait3A] : memref<10240x128xf32, #tpu.memory_space<vmem_shared>> -> memref<128x128xf32, #tpu.memory_space<vmem_shared>>
      tpu.wait_dma2 semaphore(%run_scoped3A : memref<!tpu.dma_semaphore, #tpu.memory_space<semaphore_mem>>) src(%arg4 : memref<128x128xf32, #tpu.memory_space<hbm>>) dst(%dma_wait3A_46 : memref<128x128xf32, #tpu.memory_space<vmem_shared>>)
      tpu.yield
    }) : () -> ()
    %mul3A_17 = arith.constant 5 : i32
    %mul3A_18 = arith.muli %arg1, %mul3A_17 : i32
    %add3A_19 = arith.constant 2 : i32
    %add3A_20 = arith.addi %mul3A_18, %add3A_19 : i32
    %mul3A_21 = arith.constant 128 : i32
    %mul3A_22 = arith.muli %add3A_20, %mul3A_21 : i32
    "tpu.region"() ({
      %run_scoped3A = tpu.sem_alloc : memref<!tpu.dma_semaphore, #tpu.memory_space<semaphore_mem>>
      %dma_start3A = arith.constant 0 : i32
      %dma_start3A_45 = tpu.memref_slice %arg10[%mul3A_22, %dma_start3A] : memref<10240x128xf32, #tpu.memory_space<vmem_shared>> -> memref<128x128xf32, #tpu.memory_space<vmem_shared>>
      tpu.enqueue_dma source(%arg4 : memref<128x128xf32, #tpu.memory_space<hbm>>) target(%dma_start3A_45 : memref<128x128xf32, #tpu.memory_space<vmem_shared>>) target_semaphore(%run_scoped3A : memref<!tpu.dma_semaphore, #tpu.memory_space<semaphore_mem>>)
      %dma_wait3A = arith.constant 0 : i32
      %dma_wait3A_46 = tpu.memref_slice %arg10[%mul3A_22, %dma_wait3A] : memref<10240x128xf32, #tpu.memory_space<vmem_shared>> -> memref<128x128xf32, #tpu.memory_space<vmem_shared>>
      tpu.wait_dma2 semaphore(%run_scoped3A : memref<!tpu.dma_semaphore, #tpu.memory_space<semaphore_mem>>) src(%arg4 : memref<128x128xf32, #tpu.memory_space<hbm>>) dst(%dma_wait3A_46 : memref<128x128xf32, #tpu.memory_space<vmem_shared>>)
      tpu.yield
    }) : () -> ()
    %mul3A_23 = arith.constant 5 : i32
    %mul3A_24 = arith.muli %arg1, %mul3A_23 : i32
    %add3A_25 = arith.constant 3 : i32
    %add3A_26 = arith.addi %mul3A_24, %add3A_25 : i32
    %mul3A_27 = arith.constant 128 : i32
    %mul3A_28 = arith.muli %add3A_26, %mul3A_27 : i32
    "tpu.region"() ({
      %run_scoped3A = tpu.sem_alloc : memref<!tpu.dma_semaphore, #tpu.memory_space<semaphore_mem>>
      %dma_start3A = arith.constant 0 : i32
      %dma_start3A_45 = tpu.memref_slice %arg10[%mul3A_28, %dma_start3A] : memref<10240x128xf32, #tpu.memory_space<vmem_shared>> -> memref<128x128xf32, #tpu.memory_space<vmem_shared>>
      tpu.enqueue_dma source(%arg4 : memref<128x128xf32, #tpu.memory_space<hbm>>) target(%dma_start3A_45 : memref<128x128xf32, #tpu.memory_space<vmem_shared>>) target_semaphore(%run_scoped3A : memref<!tpu.dma_semaphore, #tpu.memory_space<semaphore_mem>>)
      %dma_wait3A = arith.constant 0 : i32
      %dma_wait3A_46 = tpu.memref_slice %arg10[%mul3A_28, %dma_wait3A] : memref<10240x128xf32, #tpu.memory_space<vmem_shared>> -> memref<128x128xf32, #tpu.memory_space<vmem_shared>>
      tpu.wait_dma2 semaphore(%run_scoped3A : memref<!tpu.dma_semaphore, #tpu.memory_space<semaphore_mem>>) src(%arg4 : memref<128x128xf32, #tpu.memory_space<hbm>>) dst(%dma_wait3A_46 : memref<128x128xf32, #tpu.memory_space<vmem_shared>>)
      tpu.yield
    }) : () -> ()
    %mul3A_29 = arith.constant 5 : i32
    %mul3A_30 = arith.muli %arg1, %mul3A_29 : i32
    %add3A_31 = arith.constant 4 : i32
    %add3A_32 = arith.addi %mul3A_30, %add3A_31 : i32
    %mul3A_33 = arith.constant 128 : i32
    %mul3A_34 = arith.muli %add3A_32, %mul3A_33 : i32
    "tpu.region"() ({
      %run_scoped3A = tpu.sem_alloc : memref<!tpu.dma_semaphore, #tpu.memory_space<semaphore_mem>>
      %dma_start3A = arith.constant 0 : i32
      %dma_start3A_45 = tpu.memref_slice %arg10[%mul3A_34, %dma_start3A] : memref<10240x128xf32, #tpu.memory_space<vmem_shared>> -> memref<128x128xf32, #tpu.memory_space<vmem_shared>>
      tpu.enqueue_dma source(%arg4 : memref<128x128xf32, #tpu.memory_space<hbm>>) target(%dma_start3A_45 : memref<128x128xf32, #tpu.memory_space<vmem_shared>>) target_semaphore(%run_scoped3A : memref<!tpu.dma_semaphore, #tpu.memory_space<semaphore_mem>>)
      %dma_wait3A = arith.constant 0 : i32
      %dma_wait3A_46 = tpu.memref_slice %arg10[%mul3A_34, %dma_wait3A] : memref<10240x128xf32, #tpu.memory_space<vmem_shared>> -> memref<128x128xf32, #tpu.memory_space<vmem_shared>>
      tpu.wait_dma2 semaphore(%run_scoped3A : memref<!tpu.dma_semaphore, #tpu.memory_space<semaphore_mem>>) src(%arg4 : memref<128x128xf32, #tpu.memory_space<hbm>>) dst(%dma_wait3A_46 : memref<128x128xf32, #tpu.memory_space<vmem_shared>>)
      tpu.yield
    }) : () -> ()
    %barrier3A = arith.constant 0 : index
    tpu.barrier barrier_id(%barrier3A)
    %scan3A = arith.constant 0 : i32
    %scan3A_35 = arith.constant 0 : i32
    %scan3A_36 = arith.constant 80 : i32
    %scan3A_37 = arith.addi %scan3A_35, %scan3A_36 : i32
    %scan3A_38 = arith.constant 1 : i32
    scf.for %scan3A_45 = %scan3A_35 to %scan3A_37 step %scan3A_38  : i32 {
      %dma_start3A = arith.constant 0 : i32
      %dma_start3A_46 = tpu.memref_slice %arg7[%scan3A_45, %dma_start3A] : memref<80x128xi32, #tpu.memory_space<vmem>> -> memref<1x128xi32, #tpu.memory_space<vmem>>
      %dma_start3A_47 = tpu.memref_squeeze %dma_start3A_46 : memref<1x128xi32, #tpu.memory_space<vmem>> -> memref<128xi32, #tpu.memory_space<vmem>>
      %dma_start3A_48 = arith.constant 0 : i32
      %dma_start3A_49 = arith.constant 0 : i32
      %dma_start3A_50 = tpu.memref_slice %arg5[%dma_start3A_48, %dma_start3A_49] : memref<10000x128xf32, #tpu.memory_space<hbm>> -> memref<10000x128xf32, #tpu.memory_space<hbm>>
      tpu.enqueue_indirect_dma source(%dma_start3A_50 : memref<10000x128xf32, #tpu.memory_space<hbm>>) target(%arg9 : memref<128x128xf32, #tpu.memory_space<vmem>>) offsets(%dma_start3A_47 : memref<128xi32, #tpu.memory_space<vmem>>) semaphore(%arg11 : memref<!tpu.dma_semaphore, #tpu.memory_space<semaphore_mem>>)
      %dma_wait3A = arith.constant 0 : i32
      %dma_wait3A_51 = tpu.memref_slice %arg7[%scan3A_45, %dma_wait3A] : memref<80x128xi32, #tpu.memory_space<vmem>> -> memref<1x128xi32, #tpu.memory_space<vmem>>
      %dma_wait3A_52 = tpu.memref_squeeze %dma_wait3A_51 : memref<1x128xi32, #tpu.memory_space<vmem>> -> memref<128xi32, #tpu.memory_space<vmem>>
      %dma_wait3A_53 = arith.constant 0 : i32
      %dma_wait3A_54 = arith.constant 0 : i32
      %dma_wait3A_55 = tpu.memref_slice %arg5[%dma_wait3A_53, %dma_wait3A_54] : memref<10000x128xf32, #tpu.memory_space<hbm>> -> memref<10000x128xf32, #tpu.memory_space<hbm>>
      tpu.wait_indirect_dma semaphore(%arg11 : memref<!tpu.dma_semaphore, #tpu.memory_space<semaphore_mem>>) src(%dma_wait3A_55 : memref<10000x128xf32, #tpu.memory_space<hbm>>) dst(%arg9 : memref<128x128xf32, #tpu.memory_space<vmem>>)
      "tpu.region"() ({
        %run_scoped3A = tpu.sem_alloc : memref<!tpu.dma_semaphore, #tpu.memory_space<semaphore_mem>>
        %dma_start3A_56 = arith.constant 0 : i32
        %dma_start3A_57 = tpu.memref_slice %arg8[%scan3A_45, %dma_start3A_56] : memref<80x128xi32, #tpu.memory_space<vmem>> -> memref<1x128xi32, #tpu.memory_space<vmem>>
        %dma_start3A_58 = tpu.memref_squeeze %dma_start3A_57 : memref<1x128xi32, #tpu.memory_space<vmem>> -> memref<128xi32, #tpu.memory_space<vmem>>
        %dma_start3A_59 = arith.constant 0 : i32
        %dma_start3A_60 = arith.constant 0 : i32
        %dma_start3A_61 = tpu.memref_slice %arg10[%dma_start3A_59, %dma_start3A_60] : memref<10240x128xf32, #tpu.memory_space<vmem_shared>> -> memref<10240x128xf32, #tpu.memory_space<vmem_shared>>
        tpu.enqueue_indirect_dma source(%arg9 : memref<128x128xf32, #tpu.memory_space<vmem>>) target(%dma_start3A_61 : memref<10240x128xf32, #tpu.memory_space<vmem_shared>>) offsets(%dma_start3A_58 : memref<128xi32, #tpu.memory_space<vmem>>) semaphore(%run_scoped3A : memref<!tpu.dma_semaphore, #tpu.memory_space<semaphore_mem>>) {add = true}
        %dma_wait3A_62 = arith.constant 0 : i32
        %dma_wait3A_63 = tpu.memref_slice %arg8[%scan3A_45, %dma_wait3A_62] : memref<80x128xi32, #tpu.memory_space<vmem>> -> memref<1x128xi32, #tpu.memory_space<vmem>>
        %dma_wait3A_64 = tpu.memref_squeeze %dma_wait3A_63 : memref<1x128xi32, #tpu.memory_space<vmem>> -> memref<128xi32, #tpu.memory_space<vmem>>
        %dma_wait3A_65 = arith.constant 0 : i32
        %dma_wait3A_66 = arith.constant 0 : i32
        %dma_wait3A_67 = tpu.memref_slice %arg10[%dma_wait3A_65, %dma_wait3A_66] : memref<10240x128xf32, #tpu.memory_space<vmem_shared>> -> memref<10240x128xf32, #tpu.memory_space<vmem_shared>>
        tpu.wait_indirect_dma semaphore(%run_scoped3A : memref<!tpu.dma_semaphore, #tpu.memory_space<semaphore_mem>>) src(%arg9 : memref<128x128xf32, #tpu.memory_space<vmem>>) dst(%dma_wait3A_67 : memref<10240x128xf32, #tpu.memory_space<vmem_shared>>)
        tpu.yield
      }) : () -> ()
    }
    %scan3A_39 = arith.constant 80 : i32
    %barrier3A_40 = arith.constant 0 : index
    tpu.barrier barrier_id(%barrier3A_40)
    %mul3A_41 = arith.constant 640 : i32
    %mul3A_42 = arith.muli %arg1, %mul3A_41 : i32
    %mul3A_43 = arith.constant 640 : i32
    %mul3A_44 = arith.muli %arg1, %mul3A_43 : i32
    "tpu.region"() ({
      %run_scoped3A = tpu.sem_alloc : memref<!tpu.dma_semaphore, #tpu.memory_space<semaphore_mem>>
      %dma_start3A = arith.constant 0 : i32
      %dma_start3A_45 = tpu.memref_slice %arg6[%arg0, %mul3A_44, %dma_start3A] : memref<2x10240x128xf32, #tpu.memory_space<hbm>> -> memref<1x640x128xf32, #tpu.memory_space<hbm>>
      %dma_start3A_46 = tpu.memref_squeeze %dma_start3A_45 : memref<1x640x128xf32, #tpu.memory_space<hbm>> -> memref<640x128xf32, #tpu.memory_space<hbm>>
      %dma_start3A_47 = arith.constant 0 : i32
      %dma_start3A_48 = tpu.memref_slice %arg10[%mul3A_42, %dma_start3A_47] : memref<10240x128xf32, #tpu.memory_space<vmem_shared>> -> memref<640x128xf32, #tpu.memory_space<vmem_shared>>
      tpu.enqueue_dma source(%dma_start3A_48 : memref<640x128xf32, #tpu.memory_space<vmem_shared>>) target(%dma_start3A_46 : memref<640x128xf32, #tpu.memory_space<hbm>>) target_semaphore(%run_scoped3A : memref<!tpu.dma_semaphore, #tpu.memory_space<semaphore_mem>>)
      %dma_wait3A = arith.constant 0 : i32
      %dma_wait3A_49 = tpu.memref_slice %arg6[%arg0, %mul3A_44, %dma_wait3A] : memref<2x10240x128xf32, #tpu.memory_space<hbm>> -> memref<1x640x128xf32, #tpu.memory_space<hbm>>
      %dma_wait3A_50 = tpu.memref_squeeze %dma_wait3A_49 : memref<1x640x128xf32, #tpu.memory_space<hbm>> -> memref<640x128xf32, #tpu.memory_space<hbm>>
      %dma_wait3A_51 = arith.constant 0 : i32
      %dma_wait3A_52 = tpu.memref_slice %arg10[%mul3A_42, %dma_wait3A_51] : memref<10240x128xf32, #tpu.memory_space<vmem_shared>> -> memref<640x128xf32, #tpu.memory_space<vmem_shared>>
      tpu.wait_dma2 semaphore(%run_scoped3A : memref<!tpu.dma_semaphore, #tpu.memory_space<semaphore_mem>>) src(%dma_wait3A_52 : memref<640x128xf32, #tpu.memory_space<vmem_shared>>) dst(%dma_wait3A_50 : memref<640x128xf32, #tpu.memory_space<hbm>>)
      tpu.yield
    }) : () -> ()
    return
  }
}

#map = affine_map<(d0, d1) -> (0, 0)>
#map1 = affine_map<(d0, d1) -> (0, 0, 0)>
module attributes {stable_mosaic.version = 14 : i64} {
  func.func @seg(%arg0: i32, %arg1: i32, %arg2: memref<2560x128xi32, #tpu.memory_space<hbm>>, %arg3: memref<2560x128xi32, #tpu.memory_space<hbm>>, %arg4: memref<128x128xf32, #tpu.memory_space<hbm>>, %arg5: memref<10000x128xf32, #tpu.memory_space<hbm>>, %arg6: memref<10000x128xf32, #tpu.memory_space<hbm>>, %arg7: memref<2x10240x128xf32, #tpu.memory_space<hbm>>, %arg8: memref<2x10240x128xf32, #tpu.memory_space<hbm>>, %arg9: memref<80x128xi32, #tpu.memory_space<vmem>>, %arg10: memref<80x128xi32, #tpu.memory_space<vmem>>, %arg11: memref<128x128xf32, #tpu.memory_space<vmem>>, %arg12: memref<10240x128xf32, #tpu.memory_space<vmem_shared>>, %arg13: memref<!tpu.dma_semaphore, #tpu.memory_space<semaphore_mem>>) attributes {dimension_semantics = [#tpu.dimension_semantics<core_parallel>, #tpu.dimension_semantics<subcore_parallel>], iteration_bounds = array<i64: 2, 16>, scalar_prefetch = 0 : i64, scratch_operands = 5 : i64, tpu.core_type = #tpu.core_type<sc_vector_subcore>, window_params = [{transform_indices = #map}, {transform_indices = #map}, {transform_indices = #map}, {transform_indices = #map}, {transform_indices = #map}, {transform_indices = #map1}, {transform_indices = #map1}]} {
    %mul3A = arith.constant 2 : i32
    %mul3A_0 = arith.muli %arg1, %mul3A : i32
    %add3A = arith.addi %mul3A_0, %arg0 : i32
    %mul3A_1 = arith.constant 80 : i32
    %mul3A_2 = arith.muli %add3A, %mul3A_1 : i32
    "tpu.region"() ({
      %run_scoped3A = tpu.sem_alloc : memref<!tpu.dma_semaphore, #tpu.memory_space<semaphore_mem>>
      %dma_start3A = arith.constant 0 : i32
      %dma_start3A_88 = tpu.memref_slice %arg2[%mul3A_2, %dma_start3A] : memref<2560x128xi32, #tpu.memory_space<hbm>> -> memref<80x128xi32, #tpu.memory_space<hbm>>
      %dma_start3A_89 = arith.constant 0 : i32
      %dma_start3A_90 = tpu.memref_slice %arg2[%mul3A_2, %dma_start3A_89] : memref<2560x128xi32, #tpu.memory_space<hbm>> -> memref<80x128xi32, #tpu.memory_space<hbm>>
      tpu.enqueue_dma source(%dma_start3A_90 : memref<80x128xi32, #tpu.memory_space<hbm>>) target(%arg9 : memref<80x128xi32, #tpu.memory_space<vmem>>) target_semaphore(%run_scoped3A : memref<!tpu.dma_semaphore, #tpu.memory_space<semaphore_mem>>)
      %dma_wait3A = arith.constant 0 : i32
      %dma_wait3A_91 = tpu.memref_slice %arg2[%mul3A_2, %dma_wait3A] : memref<2560x128xi32, #tpu.memory_space<hbm>> -> memref<80x128xi32, #tpu.memory_space<hbm>>
      %dma_wait3A_92 = arith.constant 0 : i32
      %dma_wait3A_93 = tpu.memref_slice %arg2[%mul3A_2, %dma_wait3A_92] : memref<2560x128xi32, #tpu.memory_space<hbm>> -> memref<80x128xi32, #tpu.memory_space<hbm>>
      tpu.wait_dma2 semaphore(%run_scoped3A : memref<!tpu.dma_semaphore, #tpu.memory_space<semaphore_mem>>) src(%dma_wait3A_93 : memref<80x128xi32, #tpu.memory_space<hbm>>) dst(%arg9 : memref<80x128xi32, #tpu.memory_space<vmem>>)
      tpu.yield
    }) : () -> ()
    %mul3A_3 = arith.constant 80 : i32
    %mul3A_4 = arith.muli %add3A, %mul3A_3 : i32
    "tpu.region"() ({
      %run_scoped3A = tpu.sem_alloc : memref<!tpu.dma_semaphore, #tpu.memory_space<semaphore_mem>>
      %dma_start3A = arith.constant 0 : i32
      %dma_start3A_88 = tpu.memref_slice %arg3[%mul3A_4, %dma_start3A] : memref<2560x128xi32, #tpu.memory_space<hbm>> -> memref<80x128xi32, #tpu.memory_space<hbm>>
      %dma_start3A_89 = arith.constant 0 : i32
      %dma_start3A_90 = tpu.memref_slice %arg3[%mul3A_4, %dma_start3A_89] : memref<2560x128xi32, #tpu.memory_space<hbm>> -> memref<80x128xi32, #tpu.memory_space<hbm>>
      tpu.enqueue_dma source(%dma_start3A_90 : memref<80x128xi32, #tpu.memory_space<hbm>>) target(%arg10 : memref<80x128xi32, #tpu.memory_space<vmem>>) target_semaphore(%run_scoped3A : memref<!tpu.dma_semaphore, #tpu.memory_space<semaphore_mem>>)
      %dma_wait3A = arith.constant 0 : i32
      %dma_wait3A_91 = tpu.memref_slice %arg3[%mul3A_4, %dma_wait3A] : memref<2560x128xi32, #tpu.memory_space<hbm>> -> memref<80x128xi32, #tpu.memory_space<hbm>>
      %dma_wait3A_92 = arith.constant 0 : i32
      %dma_wait3A_93 = tpu.memref_slice %arg3[%mul3A_4, %dma_wait3A_92] : memref<2560x128xi32, #tpu.memory_space<hbm>> -> memref<80x128xi32, #tpu.memory_space<hbm>>
      tpu.wait_dma2 semaphore(%run_scoped3A : memref<!tpu.dma_semaphore, #tpu.memory_space<semaphore_mem>>) src(%dma_wait3A_93 : memref<80x128xi32, #tpu.memory_space<hbm>>) dst(%arg10 : memref<80x128xi32, #tpu.memory_space<vmem>>)
      tpu.yield
    }) : () -> ()
    %mul3A_5 = arith.constant 5 : i32
    %mul3A_6 = arith.muli %arg1, %mul3A_5 : i32
    %add3A_7 = arith.constant 0 : i32
    %add3A_8 = arith.addi %mul3A_6, %add3A_7 : i32
    %mul3A_9 = arith.constant 128 : i32
    %mul3A_10 = arith.muli %add3A_8, %mul3A_9 : i32
    "tpu.region"() ({
      %run_scoped3A = tpu.sem_alloc : memref<!tpu.dma_semaphore, #tpu.memory_space<semaphore_mem>>
      %dma_start3A = arith.constant 0 : i32
      %dma_start3A_88 = tpu.memref_slice %arg12[%mul3A_10, %dma_start3A] : memref<10240x128xf32, #tpu.memory_space<vmem_shared>> -> memref<128x128xf32, #tpu.memory_space<vmem_shared>>
      tpu.enqueue_dma source(%arg4 : memref<128x128xf32, #tpu.memory_space<hbm>>) target(%dma_start3A_88 : memref<128x128xf32, #tpu.memory_space<vmem_shared>>) target_semaphore(%run_scoped3A : memref<!tpu.dma_semaphore, #tpu.memory_space<semaphore_mem>>)
      %dma_wait3A = arith.constant 0 : i32
      %dma_wait3A_89 = tpu.memref_slice %arg12[%mul3A_10, %dma_wait3A] : memref<10240x128xf32, #tpu.memory_space<vmem_shared>> -> memref<128x128xf32, #tpu.memory_space<vmem_shared>>
      tpu.wait_dma2 semaphore(%run_scoped3A : memref<!tpu.dma_semaphore, #tpu.memory_space<semaphore_mem>>) src(%arg4 : memref<128x128xf32, #tpu.memory_space<hbm>>) dst(%dma_wait3A_89 : memref<128x128xf32, #tpu.memory_space<vmem_shared>>)
      tpu.yield
    }) : () -> ()
    %mul3A_11 = arith.constant 5 : i32
    %mul3A_12 = arith.muli %arg1, %mul3A_11 : i32
    %add3A_13 = arith.constant 1 : i32
    %add3A_14 = arith.addi %mul3A_12, %add3A_13 : i32
    %mul3A_15 = arith.constant 128 : i32
    %mul3A_16 = arith.muli %add3A_14, %mul3A_15 : i32
    "tpu.region"() ({
      %run_scoped3A = tpu.sem_alloc : memref<!tpu.dma_semaphore, #tpu.memory_space<semaphore_mem>>
      %dma_start3A = arith.constant 0 : i32
      %dma_start3A_88 = tpu.memref_slice %arg12[%mul3A_16, %dma_start3A] : memref<10240x128xf32, #tpu.memory_space<vmem_shared>> -> memref<128x128xf32, #tpu.memory_space<vmem_shared>>
      tpu.enqueue_dma source(%arg4 : memref<128x128xf32, #tpu.memory_space<hbm>>) target(%dma_start3A_88 : memref<128x128xf32, #tpu.memory_space<vmem_shared>>) target_semaphore(%run_scoped3A : memref<!tpu.dma_semaphore, #tpu.memory_space<semaphore_mem>>)
      %dma_wait3A = arith.constant 0 : i32
      %dma_wait3A_89 = tpu.memref_slice %arg12[%mul3A_16, %dma_wait3A] : memref<10240x128xf32, #tpu.memory_space<vmem_shared>> -> memref<128x128xf32, #tpu.memory_space<vmem_shared>>
      tpu.wait_dma2 semaphore(%run_scoped3A : memref<!tpu.dma_semaphore, #tpu.memory_space<semaphore_mem>>) src(%arg4 : memref<128x128xf32, #tpu.memory_space<hbm>>) dst(%dma_wait3A_89 : memref<128x128xf32, #tpu.memory_space<vmem_shared>>)
      tpu.yield
    }) : () -> ()
    %mul3A_17 = arith.constant 5 : i32
    %mul3A_18 = arith.muli %arg1, %mul3A_17 : i32
    %add3A_19 = arith.constant 2 : i32
    %add3A_20 = arith.addi %mul3A_18, %add3A_19 : i32
    %mul3A_21 = arith.constant 128 : i32
    %mul3A_22 = arith.muli %add3A_20, %mul3A_21 : i32
    "tpu.region"() ({
      %run_scoped3A = tpu.sem_alloc : memref<!tpu.dma_semaphore, #tpu.memory_space<semaphore_mem>>
      %dma_start3A = arith.constant 0 : i32
      %dma_start3A_88 = tpu.memref_slice %arg12[%mul3A_22, %dma_start3A] : memref<10240x128xf32, #tpu.memory_space<vmem_shared>> -> memref<128x128xf32, #tpu.memory_space<vmem_shared>>
      tpu.enqueue_dma source(%arg4 : memref<128x128xf32, #tpu.memory_space<hbm>>) target(%dma_start3A_88 : memref<128x128xf32, #tpu.memory_space<vmem_shared>>) target_semaphore(%run_scoped3A : memref<!tpu.dma_semaphore, #tpu.memory_space<semaphore_mem>>)
      %dma_wait3A = arith.constant 0 : i32
      %dma_wait3A_89 = tpu.memref_slice %arg12[%mul3A_22, %dma_wait3A] : memref<10240x128xf32, #tpu.memory_space<vmem_shared>> -> memref<128x128xf32, #tpu.memory_space<vmem_shared>>
      tpu.wait_dma2 semaphore(%run_scoped3A : memref<!tpu.dma_semaphore, #tpu.memory_space<semaphore_mem>>) src(%arg4 : memref<128x128xf32, #tpu.memory_space<hbm>>) dst(%dma_wait3A_89 : memref<128x128xf32, #tpu.memory_space<vmem_shared>>)
      tpu.yield
    }) : () -> ()
    %mul3A_23 = arith.constant 5 : i32
    %mul3A_24 = arith.muli %arg1, %mul3A_23 : i32
    %add3A_25 = arith.constant 3 : i32
    %add3A_26 = arith.addi %mul3A_24, %add3A_25 : i32
    %mul3A_27 = arith.constant 128 : i32
    %mul3A_28 = arith.muli %add3A_26, %mul3A_27 : i32
    "tpu.region"() ({
      %run_scoped3A = tpu.sem_alloc : memref<!tpu.dma_semaphore, #tpu.memory_space<semaphore_mem>>
      %dma_start3A = arith.constant 0 : i32
      %dma_start3A_88 = tpu.memref_slice %arg12[%mul3A_28, %dma_start3A] : memref<10240x128xf32, #tpu.memory_space<vmem_shared>> -> memref<128x128xf32, #tpu.memory_space<vmem_shared>>
      tpu.enqueue_dma source(%arg4 : memref<128x128xf32, #tpu.memory_space<hbm>>) target(%dma_start3A_88 : memref<128x128xf32, #tpu.memory_space<vmem_shared>>) target_semaphore(%run_scoped3A : memref<!tpu.dma_semaphore, #tpu.memory_space<semaphore_mem>>)
      %dma_wait3A = arith.constant 0 : i32
      %dma_wait3A_89 = tpu.memref_slice %arg12[%mul3A_28, %dma_wait3A] : memref<10240x128xf32, #tpu.memory_space<vmem_shared>> -> memref<128x128xf32, #tpu.memory_space<vmem_shared>>
      tpu.wait_dma2 semaphore(%run_scoped3A : memref<!tpu.dma_semaphore, #tpu.memory_space<semaphore_mem>>) src(%arg4 : memref<128x128xf32, #tpu.memory_space<hbm>>) dst(%dma_wait3A_89 : memref<128x128xf32, #tpu.memory_space<vmem_shared>>)
      tpu.yield
    }) : () -> ()
    %mul3A_29 = arith.constant 5 : i32
    %mul3A_30 = arith.muli %arg1, %mul3A_29 : i32
    %add3A_31 = arith.constant 4 : i32
    %add3A_32 = arith.addi %mul3A_30, %add3A_31 : i32
    %mul3A_33 = arith.constant 128 : i32
    %mul3A_34 = arith.muli %add3A_32, %mul3A_33 : i32
    "tpu.region"() ({
      %run_scoped3A = tpu.sem_alloc : memref<!tpu.dma_semaphore, #tpu.memory_space<semaphore_mem>>
      %dma_start3A = arith.constant 0 : i32
      %dma_start3A_88 = tpu.memref_slice %arg12[%mul3A_34, %dma_start3A] : memref<10240x128xf32, #tpu.memory_space<vmem_shared>> -> memref<128x128xf32, #tpu.memory_space<vmem_shared>>
      tpu.enqueue_dma source(%arg4 : memref<128x128xf32, #tpu.memory_space<hbm>>) target(%dma_start3A_88 : memref<128x128xf32, #tpu.memory_space<vmem_shared>>) target_semaphore(%run_scoped3A : memref<!tpu.dma_semaphore, #tpu.memory_space<semaphore_mem>>)
      %dma_wait3A = arith.constant 0 : i32
      %dma_wait3A_89 = tpu.memref_slice %arg12[%mul3A_34, %dma_wait3A] : memref<10240x128xf32, #tpu.memory_space<vmem_shared>> -> memref<128x128xf32, #tpu.memory_space<vmem_shared>>
      tpu.wait_dma2 semaphore(%run_scoped3A : memref<!tpu.dma_semaphore, #tpu.memory_space<semaphore_mem>>) src(%arg4 : memref<128x128xf32, #tpu.memory_space<hbm>>) dst(%dma_wait3A_89 : memref<128x128xf32, #tpu.memory_space<vmem_shared>>)
      tpu.yield
    }) : () -> ()
    %barrier3A = arith.constant 0 : index
    tpu.barrier barrier_id(%barrier3A)
    %scan3A = arith.constant 0 : i32
    %scan3A_35 = arith.constant 0 : i32
    %scan3A_36 = arith.constant 80 : i32
    %scan3A_37 = arith.addi %scan3A_35, %scan3A_36 : i32
    %scan3A_38 = arith.constant 1 : i32
    scf.for %scan3A_88 = %scan3A_35 to %scan3A_37 step %scan3A_38  : i32 {
      %dma_start3A = arith.constant 0 : i32
      %dma_start3A_89 = tpu.memref_slice %arg9[%scan3A_88, %dma_start3A] : memref<80x128xi32, #tpu.memory_space<vmem>> -> memref<1x128xi32, #tpu.memory_space<vmem>>
      %dma_start3A_90 = tpu.memref_squeeze %dma_start3A_89 : memref<1x128xi32, #tpu.memory_space<vmem>> -> memref<128xi32, #tpu.memory_space<vmem>>
      %dma_start3A_91 = arith.constant 0 : i32
      %dma_start3A_92 = arith.constant 0 : i32
      %dma_start3A_93 = tpu.memref_slice %arg5[%dma_start3A_91, %dma_start3A_92] : memref<10000x128xf32, #tpu.memory_space<hbm>> -> memref<10000x128xf32, #tpu.memory_space<hbm>>
      tpu.enqueue_indirect_dma source(%dma_start3A_93 : memref<10000x128xf32, #tpu.memory_space<hbm>>) target(%arg11 : memref<128x128xf32, #tpu.memory_space<vmem>>) offsets(%dma_start3A_90 : memref<128xi32, #tpu.memory_space<vmem>>) semaphore(%arg13 : memref<!tpu.dma_semaphore, #tpu.memory_space<semaphore_mem>>)
      %dma_wait3A = arith.constant 0 : i32
      %dma_wait3A_94 = tpu.memref_slice %arg9[%scan3A_88, %dma_wait3A] : memref<80x128xi32, #tpu.memory_space<vmem>> -> memref<1x128xi32, #tpu.memory_space<vmem>>
      %dma_wait3A_95 = tpu.memref_squeeze %dma_wait3A_94 : memref<1x128xi32, #tpu.memory_space<vmem>> -> memref<128xi32, #tpu.memory_space<vmem>>
      %dma_wait3A_96 = arith.constant 0 : i32
      %dma_wait3A_97 = arith.constant 0 : i32
      %dma_wait3A_98 = tpu.memref_slice %arg5[%dma_wait3A_96, %dma_wait3A_97] : memref<10000x128xf32, #tpu.memory_space<hbm>> -> memref<10000x128xf32, #tpu.memory_space<hbm>>
      tpu.wait_indirect_dma semaphore(%arg13 : memref<!tpu.dma_semaphore, #tpu.memory_space<semaphore_mem>>) src(%dma_wait3A_98 : memref<10000x128xf32, #tpu.memory_space<hbm>>) dst(%arg11 : memref<128x128xf32, #tpu.memory_space<vmem>>)
      "tpu.region"() ({
        %run_scoped3A = tpu.sem_alloc : memref<!tpu.dma_semaphore, #tpu.memory_space<semaphore_mem>>
        %dma_start3A_99 = arith.constant 0 : i32
        %dma_start3A_100 = tpu.memref_slice %arg10[%scan3A_88, %dma_start3A_99] : memref<80x128xi32, #tpu.memory_space<vmem>> -> memref<1x128xi32, #tpu.memory_space<vmem>>
        %dma_start3A_101 = tpu.memref_squeeze %dma_start3A_100 : memref<1x128xi32, #tpu.memory_space<vmem>> -> memref<128xi32, #tpu.memory_space<vmem>>
        %dma_start3A_102 = arith.constant 0 : i32
        %dma_start3A_103 = arith.constant 0 : i32
        %dma_start3A_104 = tpu.memref_slice %arg12[%dma_start3A_102, %dma_start3A_103] : memref<10240x128xf32, #tpu.memory_space<vmem_shared>> -> memref<10240x128xf32, #tpu.memory_space<vmem_shared>>
        tpu.enqueue_indirect_dma source(%arg11 : memref<128x128xf32, #tpu.memory_space<vmem>>) target(%dma_start3A_104 : memref<10240x128xf32, #tpu.memory_space<vmem_shared>>) offsets(%dma_start3A_101 : memref<128xi32, #tpu.memory_space<vmem>>) semaphore(%run_scoped3A : memref<!tpu.dma_semaphore, #tpu.memory_space<semaphore_mem>>) {add = true}
        %dma_wait3A_105 = arith.constant 0 : i32
        %dma_wait3A_106 = tpu.memref_slice %arg10[%scan3A_88, %dma_wait3A_105] : memref<80x128xi32, #tpu.memory_space<vmem>> -> memref<1x128xi32, #tpu.memory_space<vmem>>
        %dma_wait3A_107 = tpu.memref_squeeze %dma_wait3A_106 : memref<1x128xi32, #tpu.memory_space<vmem>> -> memref<128xi32, #tpu.memory_space<vmem>>
        %dma_wait3A_108 = arith.constant 0 : i32
        %dma_wait3A_109 = arith.constant 0 : i32
        %dma_wait3A_110 = tpu.memref_slice %arg12[%dma_wait3A_108, %dma_wait3A_109] : memref<10240x128xf32, #tpu.memory_space<vmem_shared>> -> memref<10240x128xf32, #tpu.memory_space<vmem_shared>>
        tpu.wait_indirect_dma semaphore(%run_scoped3A : memref<!tpu.dma_semaphore, #tpu.memory_space<semaphore_mem>>) src(%arg11 : memref<128x128xf32, #tpu.memory_space<vmem>>) dst(%dma_wait3A_110 : memref<10240x128xf32, #tpu.memory_space<vmem_shared>>)
        tpu.yield
      }) : () -> ()
    }
    %scan3A_39 = arith.constant 80 : i32
    %barrier3A_40 = arith.constant 0 : index
    tpu.barrier barrier_id(%barrier3A_40)
    %mul3A_41 = arith.constant 640 : i32
    %mul3A_42 = arith.muli %arg1, %mul3A_41 : i32
    %mul3A_43 = arith.constant 640 : i32
    %mul3A_44 = arith.muli %arg1, %mul3A_43 : i32
    "tpu.region"() ({
      %run_scoped3A = tpu.sem_alloc : memref<!tpu.dma_semaphore, #tpu.memory_space<semaphore_mem>>
      %dma_start3A = arith.constant 0 : i32
      %dma_start3A_88 = tpu.memref_slice %arg7[%arg0, %mul3A_44, %dma_start3A] : memref<2x10240x128xf32, #tpu.memory_space<hbm>> -> memref<1x640x128xf32, #tpu.memory_space<hbm>>
      %dma_start3A_89 = tpu.memref_squeeze %dma_start3A_88 : memref<1x640x128xf32, #tpu.memory_space<hbm>> -> memref<640x128xf32, #tpu.memory_space<hbm>>
      %dma_start3A_90 = arith.constant 0 : i32
      %dma_start3A_91 = tpu.memref_slice %arg12[%mul3A_42, %dma_start3A_90] : memref<10240x128xf32, #tpu.memory_space<vmem_shared>> -> memref<640x128xf32, #tpu.memory_space<vmem_shared>>
      tpu.enqueue_dma source(%dma_start3A_91 : memref<640x128xf32, #tpu.memory_space<vmem_shared>>) target(%dma_start3A_89 : memref<640x128xf32, #tpu.memory_space<hbm>>) target_semaphore(%run_scoped3A : memref<!tpu.dma_semaphore, #tpu.memory_space<semaphore_mem>>)
      %dma_wait3A = arith.constant 0 : i32
      %dma_wait3A_92 = tpu.memref_slice %arg7[%arg0, %mul3A_44, %dma_wait3A] : memref<2x10240x128xf32, #tpu.memory_space<hbm>> -> memref<1x640x128xf32, #tpu.memory_space<hbm>>
      %dma_wait3A_93 = tpu.memref_squeeze %dma_wait3A_92 : memref<1x640x128xf32, #tpu.memory_space<hbm>> -> memref<640x128xf32, #tpu.memory_space<hbm>>
      %dma_wait3A_94 = arith.constant 0 : i32
      %dma_wait3A_95 = tpu.memref_slice %arg12[%mul3A_42, %dma_wait3A_94] : memref<10240x128xf32, #tpu.memory_space<vmem_shared>> -> memref<640x128xf32, #tpu.memory_space<vmem_shared>>
      tpu.wait_dma2 semaphore(%run_scoped3A : memref<!tpu.dma_semaphore, #tpu.memory_space<semaphore_mem>>) src(%dma_wait3A_95 : memref<640x128xf32, #tpu.memory_space<vmem_shared>>) dst(%dma_wait3A_93 : memref<640x128xf32, #tpu.memory_space<hbm>>)
      tpu.yield
    }) : () -> ()
    %barrier3A_45 = arith.constant 0 : index
    tpu.barrier barrier_id(%barrier3A_45)
    %mul3A_46 = arith.constant 5 : i32
    %mul3A_47 = arith.muli %arg1, %mul3A_46 : i32
    %add3A_48 = arith.constant 0 : i32
    %add3A_49 = arith.addi %mul3A_47, %add3A_48 : i32
    %mul3A_50 = arith.constant 128 : i32
    %mul3A_51 = arith.muli %add3A_49, %mul3A_50 : i32
    "tpu.region"() ({
      %run_scoped3A = tpu.sem_alloc : memref<!tpu.dma_semaphore, #tpu.memory_space<semaphore_mem>>
      %dma_start3A = arith.constant 0 : i32
      %dma_start3A_88 = tpu.memref_slice %arg12[%mul3A_51, %dma_start3A] : memref<10240x128xf32, #tpu.memory_space<vmem_shared>> -> memref<128x128xf32, #tpu.memory_space<vmem_shared>>
      tpu.enqueue_dma source(%arg4 : memref<128x128xf32, #tpu.memory_space<hbm>>) target(%dma_start3A_88 : memref<128x128xf32, #tpu.memory_space<vmem_shared>>) target_semaphore(%run_scoped3A : memref<!tpu.dma_semaphore, #tpu.memory_space<semaphore_mem>>)
      %dma_wait3A = arith.constant 0 : i32
      %dma_wait3A_89 = tpu.memref_slice %arg12[%mul3A_51, %dma_wait3A] : memref<10240x128xf32, #tpu.memory_space<vmem_shared>> -> memref<128x128xf32, #tpu.memory_space<vmem_shared>>
      tpu.wait_dma2 semaphore(%run_scoped3A : memref<!tpu.dma_semaphore, #tpu.memory_space<semaphore_mem>>) src(%arg4 : memref<128x128xf32, #tpu.memory_space<hbm>>) dst(%dma_wait3A_89 : memref<128x128xf32, #tpu.memory_space<vmem_shared>>)
      tpu.yield
    }) : () -> ()
    %mul3A_52 = arith.constant 5 : i32
    %mul3A_53 = arith.muli %arg1, %mul3A_52 : i32
    %add3A_54 = arith.constant 1 : i32
    %add3A_55 = arith.addi %mul3A_53, %add3A_54 : i32
    %mul3A_56 = arith.constant 128 : i32
    %mul3A_57 = arith.muli %add3A_55, %mul3A_56 : i32
    "tpu.region"() ({
      %run_scoped3A = tpu.sem_alloc : memref<!tpu.dma_semaphore, #tpu.memory_space<semaphore_mem>>
      %dma_start3A = arith.constant 0 : i32
      %dma_start3A_88 = tpu.memref_slice %arg12[%mul3A_57, %dma_start3A] : memref<10240x128xf32, #tpu.memory_space<vmem_shared>> -> memref<128x128xf32, #tpu.memory_space<vmem_shared>>
      tpu.enqueue_dma source(%arg4 : memref<128x128xf32, #tpu.memory_space<hbm>>) target(%dma_start3A_88 : memref<128x128xf32, #tpu.memory_space<vmem_shared>>) target_semaphore(%run_scoped3A : memref<!tpu.dma_semaphore, #tpu.memory_space<semaphore_mem>>)
      %dma_wait3A = arith.constant 0 : i32
      %dma_wait3A_89 = tpu.memref_slice %arg12[%mul3A_57, %dma_wait3A] : memref<10240x128xf32, #tpu.memory_space<vmem_shared>> -> memref<128x128xf32, #tpu.memory_space<vmem_shared>>
      tpu.wait_dma2 semaphore(%run_scoped3A : memref<!tpu.dma_semaphore, #tpu.memory_space<semaphore_mem>>) src(%arg4 : memref<128x128xf32, #tpu.memory_space<hbm>>) dst(%dma_wait3A_89 : memref<128x128xf32, #tpu.memory_space<vmem_shared>>)
      tpu.yield
    }) : () -> ()
    %mul3A_58 = arith.constant 5 : i32
    %mul3A_59 = arith.muli %arg1, %mul3A_58 : i32
    %add3A_60 = arith.constant 2 : i32
    %add3A_61 = arith.addi %mul3A_59, %add3A_60 : i32
    %mul3A_62 = arith.constant 128 : i32
    %mul3A_63 = arith.muli %add3A_61, %mul3A_62 : i32
    "tpu.region"() ({
      %run_scoped3A = tpu.sem_alloc : memref<!tpu.dma_semaphore, #tpu.memory_space<semaphore_mem>>
      %dma_start3A = arith.constant 0 : i32
      %dma_start3A_88 = tpu.memref_slice %arg12[%mul3A_63, %dma_start3A] : memref<10240x128xf32, #tpu.memory_space<vmem_shared>> -> memref<128x128xf32, #tpu.memory_space<vmem_shared>>
      tpu.enqueue_dma source(%arg4 : memref<128x128xf32, #tpu.memory_space<hbm>>) target(%dma_start3A_88 : memref<128x128xf32, #tpu.memory_space<vmem_shared>>) target_semaphore(%run_scoped3A : memref<!tpu.dma_semaphore, #tpu.memory_space<semaphore_mem>>)
      %dma_wait3A = arith.constant 0 : i32
      %dma_wait3A_89 = tpu.memref_slice %arg12[%mul3A_63, %dma_wait3A] : memref<10240x128xf32, #tpu.memory_space<vmem_shared>> -> memref<128x128xf32, #tpu.memory_space<vmem_shared>>
      tpu.wait_dma2 semaphore(%run_scoped3A : memref<!tpu.dma_semaphore, #tpu.memory_space<semaphore_mem>>) src(%arg4 : memref<128x128xf32, #tpu.memory_space<hbm>>) dst(%dma_wait3A_89 : memref<128x128xf32, #tpu.memory_space<vmem_shared>>)
      tpu.yield
    }) : () -> ()
    %mul3A_64 = arith.constant 5 : i32
    %mul3A_65 = arith.muli %arg1, %mul3A_64 : i32
    %add3A_66 = arith.constant 3 : i32
    %add3A_67 = arith.addi %mul3A_65, %add3A_66 : i32
    %mul3A_68 = arith.constant 128 : i32
    %mul3A_69 = arith.muli %add3A_67, %mul3A_68 : i32
    "tpu.region"() ({
      %run_scoped3A = tpu.sem_alloc : memref<!tpu.dma_semaphore, #tpu.memory_space<semaphore_mem>>
      %dma_start3A = arith.constant 0 : i32
      %dma_start3A_88 = tpu.memref_slice %arg12[%mul3A_69, %dma_start3A] : memref<10240x128xf32, #tpu.memory_space<vmem_shared>> -> memref<128x128xf32, #tpu.memory_space<vmem_shared>>
      tpu.enqueue_dma source(%arg4 : memref<128x128xf32, #tpu.memory_space<hbm>>) target(%dma_start3A_88 : memref<128x128xf32, #tpu.memory_space<vmem_shared>>) target_semaphore(%run_scoped3A : memref<!tpu.dma_semaphore, #tpu.memory_space<semaphore_mem>>)
      %dma_wait3A = arith.constant 0 : i32
      %dma_wait3A_89 = tpu.memref_slice %arg12[%mul3A_69, %dma_wait3A] : memref<10240x128xf32, #tpu.memory_space<vmem_shared>> -> memref<128x128xf32, #tpu.memory_space<vmem_shared>>
      tpu.wait_dma2 semaphore(%run_scoped3A : memref<!tpu.dma_semaphore, #tpu.memory_space<semaphore_mem>>) src(%arg4 : memref<128x128xf32, #tpu.memory_space<hbm>>) dst(%dma_wait3A_89 : memref<128x128xf32, #tpu.memory_space<vmem_shared>>)
      tpu.yield
    }) : () -> ()
    %mul3A_70 = arith.constant 5 : i32
    %mul3A_71 = arith.muli %arg1, %mul3A_70 : i32
    %add3A_72 = arith.constant 4 : i32
    %add3A_73 = arith.addi %mul3A_71, %add3A_72 : i32
    %mul3A_74 = arith.constant 128 : i32
    %mul3A_75 = arith.muli %add3A_73, %mul3A_74 : i32
    "tpu.region"() ({
      %run_scoped3A = tpu.sem_alloc : memref<!tpu.dma_semaphore, #tpu.memory_space<semaphore_mem>>
      %dma_start3A = arith.constant 0 : i32
      %dma_start3A_88 = tpu.memref_slice %arg12[%mul3A_75, %dma_start3A] : memref<10240x128xf32, #tpu.memory_space<vmem_shared>> -> memref<128x128xf32, #tpu.memory_space<vmem_shared>>
      tpu.enqueue_dma source(%arg4 : memref<128x128xf32, #tpu.memory_space<hbm>>) target(%dma_start3A_88 : memref<128x128xf32, #tpu.memory_space<vmem_shared>>) target_semaphore(%run_scoped3A : memref<!tpu.dma_semaphore, #tpu.memory_space<semaphore_mem>>)
      %dma_wait3A = arith.constant 0 : i32
      %dma_wait3A_89 = tpu.memref_slice %arg12[%mul3A_75, %dma_wait3A] : memref<10240x128xf32, #tpu.memory_space<vmem_shared>> -> memref<128x128xf32, #tpu.memory_space<vmem_shared>>
      tpu.wait_dma2 semaphore(%run_scoped3A : memref<!tpu.dma_semaphore, #tpu.memory_space<semaphore_mem>>) src(%arg4 : memref<128x128xf32, #tpu.memory_space<hbm>>) dst(%dma_wait3A_89 : memref<128x128xf32, #tpu.memory_space<vmem_shared>>)
      tpu.yield
    }) : () -> ()
    %barrier3A_76 = arith.constant 0 : index
    tpu.barrier barrier_id(%barrier3A_76)
    %scan3A_77 = arith.constant 0 : i32
    %scan3A_78 = arith.constant 0 : i32
    %scan3A_79 = arith.constant 80 : i32
    %scan3A_80 = arith.addi %scan3A_78, %scan3A_79 : i32
    %scan3A_81 = arith.constant 1 : i32
    scf.for %scan3A_88 = %scan3A_78 to %scan3A_80 step %scan3A_81  : i32 {
      %dma_start3A = arith.constant 0 : i32
      %dma_start3A_89 = tpu.memref_slice %arg9[%scan3A_88, %dma_start3A] : memref<80x128xi32, #tpu.memory_space<vmem>> -> memref<1x128xi32, #tpu.memory_space<vmem>>
      %dma_start3A_90 = tpu.memref_squeeze %dma_start3A_89 : memref<1x128xi32, #tpu.memory_space<vmem>> -> memref<128xi32, #tpu.memory_space<vmem>>
      %dma_start3A_91 = arith.constant 0 : i32
      %dma_start3A_92 = arith.constant 0 : i32
      %dma_start3A_93 = tpu.memref_slice %arg6[%dma_start3A_91, %dma_start3A_92] : memref<10000x128xf32, #tpu.memory_space<hbm>> -> memref<10000x128xf32, #tpu.memory_space<hbm>>
      tpu.enqueue_indirect_dma source(%dma_start3A_93 : memref<10000x128xf32, #tpu.memory_space<hbm>>) target(%arg11 : memref<128x128xf32, #tpu.memory_space<vmem>>) offsets(%dma_start3A_90 : memref<128xi32, #tpu.memory_space<vmem>>) semaphore(%arg13 : memref<!tpu.dma_semaphore, #tpu.memory_space<semaphore_mem>>)
      %dma_wait3A = arith.constant 0 : i32
      %dma_wait3A_94 = tpu.memref_slice %arg9[%scan3A_88, %dma_wait3A] : memref<80x128xi32, #tpu.memory_space<vmem>> -> memref<1x128xi32, #tpu.memory_space<vmem>>
      %dma_wait3A_95 = tpu.memref_squeeze %dma_wait3A_94 : memref<1x128xi32, #tpu.memory_space<vmem>> -> memref<128xi32, #tpu.memory_space<vmem>>
      %dma_wait3A_96 = arith.constant 0 : i32
      %dma_wait3A_97 = arith.constant 0 : i32
      %dma_wait3A_98 = tpu.memref_slice %arg6[%dma_wait3A_96, %dma_wait3A_97] : memref<10000x128xf32, #tpu.memory_space<hbm>> -> memref<10000x128xf32, #tpu.memory_space<hbm>>
      tpu.wait_indirect_dma semaphore(%arg13 : memref<!tpu.dma_semaphore, #tpu.memory_space<semaphore_mem>>) src(%dma_wait3A_98 : memref<10000x128xf32, #tpu.memory_space<hbm>>) dst(%arg11 : memref<128x128xf32, #tpu.memory_space<vmem>>)
      "tpu.region"() ({
        %run_scoped3A = tpu.sem_alloc : memref<!tpu.dma_semaphore, #tpu.memory_space<semaphore_mem>>
        %dma_start3A_99 = arith.constant 0 : i32
        %dma_start3A_100 = tpu.memref_slice %arg10[%scan3A_88, %dma_start3A_99] : memref<80x128xi32, #tpu.memory_space<vmem>> -> memref<1x128xi32, #tpu.memory_space<vmem>>
        %dma_start3A_101 = tpu.memref_squeeze %dma_start3A_100 : memref<1x128xi32, #tpu.memory_space<vmem>> -> memref<128xi32, #tpu.memory_space<vmem>>
        %dma_start3A_102 = arith.constant 0 : i32
        %dma_start3A_103 = arith.constant 0 : i32
        %dma_start3A_104 = tpu.memref_slice %arg12[%dma_start3A_102, %dma_start3A_103] : memref<10240x128xf32, #tpu.memory_space<vmem_shared>> -> memref<10240x128xf32, #tpu.memory_space<vmem_shared>>
        tpu.enqueue_indirect_dma source(%arg11 : memref<128x128xf32, #tpu.memory_space<vmem>>) target(%dma_start3A_104 : memref<10240x128xf32, #tpu.memory_space<vmem_shared>>) offsets(%dma_start3A_101 : memref<128xi32, #tpu.memory_space<vmem>>) semaphore(%run_scoped3A : memref<!tpu.dma_semaphore, #tpu.memory_space<semaphore_mem>>) {add = true}
        %dma_wait3A_105 = arith.constant 0 : i32
        %dma_wait3A_106 = tpu.memref_slice %arg10[%scan3A_88, %dma_wait3A_105] : memref<80x128xi32, #tpu.memory_space<vmem>> -> memref<1x128xi32, #tpu.memory_space<vmem>>
        %dma_wait3A_107 = tpu.memref_squeeze %dma_wait3A_106 : memref<1x128xi32, #tpu.memory_space<vmem>> -> memref<128xi32, #tpu.memory_space<vmem>>
        %dma_wait3A_108 = arith.constant 0 : i32
        %dma_wait3A_109 = arith.constant 0 : i32
        %dma_wait3A_110 = tpu.memref_slice %arg12[%dma_wait3A_108, %dma_wait3A_109] : memref<10240x128xf32, #tpu.memory_space<vmem_shared>> -> memref<10240x128xf32, #tpu.memory_space<vmem_shared>>
        tpu.wait_indirect_dma semaphore(%run_scoped3A : memref<!tpu.dma_semaphore, #tpu.memory_space<semaphore_mem>>) src(%arg11 : memref<128x128xf32, #tpu.memory_space<vmem>>) dst(%dma_wait3A_110 : memref<10240x128xf32, #tpu.memory_space<vmem_shared>>)
        tpu.yield
      }) : () -> ()
    }
    %scan3A_82 = arith.constant 80 : i32
    %barrier3A_83 = arith.constant 0 : index
    tpu.barrier barrier_id(%barrier3A_83)
    %mul3A_84 = arith.constant 640 : i32
    %mul3A_85 = arith.muli %arg1, %mul3A_84 : i32
    %mul3A_86 = arith.constant 640 : i32
    %mul3A_87 = arith.muli %arg1, %mul3A_86 : i32
    "tpu.region"() ({
      %run_scoped3A = tpu.sem_alloc : memref<!tpu.dma_semaphore, #tpu.memory_space<semaphore_mem>>
      %dma_start3A = arith.constant 0 : i32
      %dma_start3A_88 = tpu.memref_slice %arg8[%arg0, %mul3A_87, %dma_start3A] : memref<2x10240x128xf32, #tpu.memory_space<hbm>> -> memref<1x640x128xf32, #tpu.memory_space<hbm>>
      %dma_start3A_89 = tpu.memref_squeeze %dma_start3A_88 : memref<1x640x128xf32, #tpu.memory_space<hbm>> -> memref<640x128xf32, #tpu.memory_space<hbm>>
      %dma_start3A_90 = arith.constant 0 : i32
      %dma_start3A_91 = tpu.memref_slice %arg12[%mul3A_85, %dma_start3A_90] : memref<10240x128xf32, #tpu.memory_space<vmem_shared>> -> memref<640x128xf32, #tpu.memory_space<vmem_shared>>
      tpu.enqueue_dma source(%dma_start3A_91 : memref<640x128xf32, #tpu.memory_space<vmem_shared>>) target(%dma_start3A_89 : memref<640x128xf32, #tpu.memory_space<hbm>>) target_semaphore(%run_scoped3A : memref<!tpu.dma_semaphore, #tpu.memory_space<semaphore_mem>>)
      %dma_wait3A = arith.constant 0 : i32
      %dma_wait3A_92 = tpu.memref_slice %arg8[%arg0, %mul3A_87, %dma_wait3A] : memref<2x10240x128xf32, #tpu.memory_space<hbm>> -> memref<1x640x128xf32, #tpu.memory_space<hbm>>
      %dma_wait3A_93 = tpu.memref_squeeze %dma_wait3A_92 : memref<1x640x128xf32, #tpu.memory_space<hbm>> -> memref<640x128xf32, #tpu.memory_space<hbm>>
      %dma_wait3A_94 = arith.constant 0 : i32
      %dma_wait3A_95 = tpu.memref_slice %arg12[%mul3A_85, %dma_wait3A_94] : memref<10240x128xf32, #tpu.memory_space<vmem_shared>> -> memref<640x128xf32, #tpu.memory_space<vmem_shared>>
      tpu.wait_dma2 semaphore(%run_scoped3A : memref<!tpu.dma_semaphore, #tpu.memory_space<semaphore_mem>>) src(%dma_wait3A_95 : memref<640x128xf32, #tpu.memory_space<vmem_shared>>) dst(%dma_wait3A_93 : memref<640x128xf32, #tpu.memory_space<hbm>>)
      tpu.yield
    }) : () -> ()
    return
  }
}

module attributes {stable_mosaic.version = 14 : i64} {
  func.func @_gcn1_body(%arg0: i32, %arg1: memref<1000x128xf32, #tpu.memory_space<vmem>>, %arg2: memref<1000x128xf32, #tpu.memory_space<vmem>>, %arg3: memref<128x256xf32, #tpu.memory_space<vmem>>, %arg4: memref<1x256xf32, #tpu.memory_space<vmem>>, %arg5: memref<1000x128xf32, #tpu.memory_space<vmem>>, %arg6: memref<1000x128xf32, #tpu.memory_space<vmem>>) attributes {dimension_semantics = [#tpu.dimension_semantics<arbitrary>], iteration_bounds = array<i64: 10>, scalar_prefetch = 0 : i64, scratch_operands = 0 : i64, tpu.core_type = #tpu.core_type<tc>, window_params = [{transform_indices = @transform_0, window_bounds = array<i64: 1000, 128>}, {transform_indices = @transform_1, window_bounds = array<i64: 1000, 128>}, {pipeline_mode = #tpu.pipeline_mode<synchronous>, transform_indices = @transform_2, window_bounds = array<i64: 128, 256>}, {pipeline_mode = #tpu.pipeline_mode<synchronous>, transform_indices = @transform_3, window_bounds = array<i64: 1, 256>}, {transform_indices = @transform_4, window_bounds = array<i64: 1000, 128>}, {transform_indices = @transform_5, window_bounds = array<i64: 1000, 128>}]} {
    %get3A = arith.constant 0 : index
    %get3A_0 = arith.constant 0 : index
    %get3A_1 = vector.load %arg1[%get3A, %get3A_0] : memref<1000x128xf32, #tpu.memory_space<vmem>>, vector<1000x128xf32>
    %get3A_2 = arith.constant 0 : index
    %get3A_3 = arith.constant 0 : index
    %get3A_4 = vector.load %arg2[%get3A_2, %get3A_3] : memref<1000x128xf32, #tpu.memory_space<vmem>>, vector<1000x128xf32>
    %add3A = arith.addf %get3A_1, %get3A_4 : vector<1000x128xf32>
    %get3A_5 = arith.constant 0 : index
    %get3A_6 = arith.constant 0 : index
    %get3A_7 = vector.load %arg3[%get3A_5, %get3A_6] : memref<128x256xf32, #tpu.memory_space<vmem>>, vector<128x256xf32>
    %dot_general3A = arith.constant dense<0.000000e+00> : vector<1000x256xf32>
    %dot_general3A_8 = tpu.matmul %add3A, %get3A_7, %dot_general3A {dimension_numbers = #tpu.dot_dimension_numbers<[1], [0], [0], [1], [0, 0, 1, 1], [], []>, transpose_lhs_hint = false} : vector<1000x128xf32>, vector<128x256xf32>, vector<1000x256xf32> -> vector<1000x256xf32>
    %get3A_9 = arith.constant 0 : index
    %get3A_10 = arith.constant 0 : index
    %get3A_11 = vector.load %arg4[%get3A_9, %get3A_10] : memref<1x256xf32, #tpu.memory_space<vmem>>, vector<1x256xf32>
    %add3A_12 = vector.broadcast %get3A_11 : vector<1x256xf32> to vector<1000x256xf32>
    %add3A_13 = arith.addf %dot_general3A_8, %add3A_12 : vector<1000x256xf32>
    %max3A = arith.constant 0.000000e+00 : f32
    %max3A_14 = vector.broadcast %max3A : f32 to vector<1000x256xf32>
    %max3A_15 = arith.maximumf %add3A_13, %max3A_14 : vector<1000x256xf32>
    %slice3A = vector.extract_strided_slice %max3A_15 {offsets = [0, 0], sizes = [1000, 128], strides = [1, 1]} : vector<1000x256xf32> to vector<1000x128xf32>
    %swap3A = arith.constant 0 : index
    %swap3A_16 = arith.constant 0 : index
    %swap3A_17 = vector.load %arg5[%swap3A, %swap3A_16] : memref<1000x128xf32, #tpu.memory_space<vmem>>, vector<1000x128xf32>
    tpu.vector_store %arg5[%swap3A, %swap3A_16], %slice3A {strides = array<i32>} : memref<1000x128xf32, #tpu.memory_space<vmem>>, vector<1000x128xf32>,
    %slice3A_18 = vector.extract_strided_slice %max3A_15 {offsets = [0, 128], sizes = [1000, 128], strides = [1, 1]} : vector<1000x256xf32> to vector<1000x128xf32>
    %swap3A_19 = arith.constant 0 : index
    %swap3A_20 = arith.constant 0 : index
    %swap3A_21 = vector.load %arg6[%swap3A_19, %swap3A_20] : memref<1000x128xf32, #tpu.memory_space<vmem>>, vector<1000x128xf32>
    tpu.vector_store %arg6[%swap3A_19, %swap3A_20], %slice3A_18 {strides = array<i32>} : memref<1000x128xf32, #tpu.memory_space<vmem>>, vector<1000x128xf32>,
    return
  }
  func.func @transform_0(%arg0: i32) -> (i32, i32) {
    %c0_i32 = arith.constant 0 : i32
    %c0_i32_0 = arith.constant 0 : i32
    return %arg0, %c0_i32 : i32, i32
  }
  func.func @transform_1(%arg0: i32) -> (i32, i32) {
    %c0_i32 = arith.constant 0 : i32
    %c0_i32_0 = arith.constant 0 : i32
    return %arg0, %c0_i32 : i32, i32
  }
  func.func @transform_2(%arg0: i32) -> (i32, i32) {
    %c0_i32 = arith.constant 0 : i32
    %c0_i32_0 = arith.constant 0 : i32
    %c0_i32_1 = arith.constant 0 : i32
    return %c0_i32, %c0_i32_0 : i32, i32
  }
  func.func @transform_3(%arg0: i32) -> (i32, i32) {
    %c0_i32 = arith.constant 0 : i32
    %c0_i32_0 = arith.constant 0 : i32
    %c0_i32_1 = arith.constant 0 : i32
    return %c0_i32, %c0_i32_0 : i32, i32
  }
  func.func @transform_4(%arg0: i32) -> (i32, i32) {
    %c0_i32 = arith.constant 0 : i32
    %c0_i32_0 = arith.constant 0 : i32
    return %arg0, %c0_i32 : i32, i32
  }
  func.func @transform_5(%arg0: i32) -> (i32, i32) {
    %c0_i32 = arith.constant 0 : i32
    %c0_i32_0 = arith.constant 0 : i32
    return %arg0, %c0_i32 : i32, i32
  }
}

module attributes {stable_mosaic.version = 14 : i64} {
  func.func @_lmax_body(%arg0: memref<256x512xi32, #tpu.memory_space<vmem>>, %arg1: memref<1x1xi32, #tpu.memory_space<smem>>) attributes {dimension_semantics = [], scalar_prefetch = 0 : i64, scratch_operands = 0 : i64, tpu.core_type = #tpu.core_type<tc>} {
    %get3A = arith.constant 0 : index
    %get3A_0 = arith.constant 0 : index
    %get3A_1 = vector.load %arg0[%get3A, %get3A_0] : memref<256x512xi32, #tpu.memory_space<vmem>>, vector<256x512xi32>
    %ne3A = arith.constant 0 : i32
    %ne3A_2 = vector.broadcast %ne3A : i32 to vector<256x512xi32>
    %ne3A_3 = arith.cmpi ne, %get3A_1, %ne3A_2 : vector<256x512xi32>
    %convert_element_type3A = arith.extui %ne3A_3 : vector<256x512xi1> to vector<256x512xi32>
    %reduce_sum3A = arith.constant dense<0> : vector<256xi32>
    %reduce_sum3A_4 = vector.multi_reduction <add>, %convert_element_type3A, %reduce_sum3A [1] : vector<256x512xi32> to vector<256xi32>
    %reduce_max3A = vector.shape_cast %reduce_sum3A_4 : vector<256xi32> to vector<1x256xi32>
    %reduce_max3A_5 = arith.constant dense<-2147483648> : vector<1xi32>
    %reduce_max3A_6 = vector.multi_reduction <maxsi>, %reduce_max3A, %reduce_max3A_5 [1] : vector<1x256xi32> to vector<1xi32>
    %reduce_max3A_7 = vector.shape_cast %reduce_max3A_6 : vector<1xi32> to vector<1x1xi32>
    %reduce_max3A_8 = vector.extract %reduce_max3A_7[0, 0] : i32 from vector<1x1xi32>
    %swap3A = arith.constant 0 : index
    %swap3A_9 = arith.constant 0 : index
    %swap3A_10 = memref.load %arg1[%swap3A, %swap3A_9] : memref<1x1xi32, #tpu.memory_space<smem>>
    memref.store %reduce_max3A_8, %arg1[%swap3A, %swap3A_9] : memref<1x1xi32, #tpu.memory_space<smem>>
    return
  }
}

module attributes {stable_mosaic.version = 14 : i64} {
  func.func @_conv_body(%arg0: i32, %arg1: memref<512x256xf32, #tpu.memory_space<vmem>>, %arg2: memref<256x1536xf32, #tpu.memory_space<vmem>>, %arg3: memref<1x384xf32, #tpu.memory_space<vmem>>, %arg4: memref<1x1xi32, #tpu.memory_space<vmem>>, %arg5: memref<1x1x384xf32, #tpu.memory_space<vmem>>) attributes {dimension_semantics = [#tpu.dimension_semantics<arbitrary>], iteration_bounds = array<i64: 256>, scalar_prefetch = 0 : i64, scratch_operands = 0 : i64, tpu.core_type = #tpu.core_type<tc>, window_params = [{transform_indices = @transform_0, window_bounds = array<i64: 512, 256>}, {pipeline_mode = #tpu.pipeline_mode<synchronous>, transform_indices = @transform_1, window_bounds = array<i64: 256, 1536>}, {pipeline_mode = #tpu.pipeline_mode<synchronous>, transform_indices = @transform_2, window_bounds = array<i64: 1, 384>}, {pipeline_mode = #tpu.pipeline_mode<synchronous>, transform_indices = @transform_3, window_bounds = array<i64: 1, 1>}, {transform_indices = @transform_4, window_bounds = array<i64: 1, 1, 384>}]} {
    %get3A = arith.constant 0 : index
    %get3A_0 = arith.constant 0 : index
    %get3A_1 = vector.load %arg1[%get3A, %get3A_0] : memref<512x256xf32, #tpu.memory_space<vmem>>, vector<512x256xf32>
    %get3A_2 = arith.constant 0 : index
    %get3A_3 = arith.constant 0 : index
    %get3A_4 = vector.load %arg2[%get3A_2, %get3A_3] : memref<256x1536xf32, #tpu.memory_space<vmem>>, vector<256x1536xf32>
    %dot_general3A = arith.constant dense<0.000000e+00> : vector<512x1536xf32>
    %dot_general3A_5 = tpu.matmul %get3A_1, %get3A_4, %dot_general3A {dimension_numbers = #tpu.dot_dimension_numbers<[1], [0], [0], [1], [0, 0, 1, 1], [], []>, transpose_lhs_hint = false} : vector<512x256xf32>, vector<256x1536xf32>, vector<512x1536xf32> -> vector<512x1536xf32>
    %get3A_6 = arith.constant 0 : index
    %get3A_7 = arith.constant 0 : index
    %get3A_8 = vector.load %arg4[%get3A_6, %get3A_7] : memref<1x1xi32, #tpu.memory_space<vmem>>, vector<1x1xi32>
    %get3A_9 = vector.extract %get3A_8[0, 0] : i32 from vector<1x1xi32>
    %iota3A = tpu.iota {dimensions = array<i32: 0>} : vector<512x128xi32>
    %slice3A = vector.extract_strided_slice %dot_general3A_5 {offsets = [0, 0], sizes = [512, 128], strides = [1, 1]} : vector<512x1536xf32> to vector<512x128xf32>
    %slice3A_10 = vector.extract_strided_slice %dot_general3A_5 {offsets = [0, 128], sizes = [512, 128], strides = [1, 1]} : vector<512x1536xf32> to vector<512x128xf32>
    %slice3A_11 = vector.extract_strided_slice %slice3A_10 {offsets = [1, 0], sizes = [511, 128], strides = [1, 1]} : vector<512x128xf32> to vector<511x128xf32>
    %broadcast_in_dim3A = arith.constant 0.000000e+00 : f32
    %broadcast_in_dim3A_12 = vector.broadcast %broadcast_in_dim3A : f32 to vector<1x128xf32>
    %concatenate3A = tpu.concatenate %slice3A_11, %broadcast_in_dim3A_12 in 0 : vector<511x128xf32>, vector<1x128xf32> -> vector<512x128xf32>
    %add3A = arith.addf %slice3A, %concatenate3A : vector<512x128xf32>
    %slice3A_13 = vector.extract_strided_slice %dot_general3A_5 {offsets = [0, 256], sizes = [512, 128], strides = [1, 1]} : vector<512x1536xf32> to vector<512x128xf32>
    %slice3A_14 = vector.extract_strided_slice %slice3A_13 {offsets = [2, 0], sizes = [510, 128], strides = [1, 1]} : vector<512x128xf32> to vector<510x128xf32>
    %broadcast_in_dim3A_15 = arith.constant 0.000000e+00 : f32
    %broadcast_in_dim3A_16 = vector.broadcast %broadcast_in_dim3A_15 : f32 to vector<2x128xf32>
    %concatenate3A_17 = tpu.concatenate %slice3A_14, %broadcast_in_dim3A_16 in 0 : vector<510x128xf32>, vector<2x128xf32> -> vector<512x128xf32>
    %add3A_18 = arith.addf %add3A, %concatenate3A_17 : vector<512x128xf32>
    %get3A_19 = arith.constant 0 : index
    %get3A_20 = arith.constant 0 : index
    %get3A_21 = vector.load %arg3[%get3A_19, %get3A_20] : memref<1x384xf32, #tpu.memory_space<vmem>>, vector<1x128xf32>
    %get3A_22 = vector.shape_cast %get3A_21 : vector<1x128xf32> to vector<128xf32>
    %broadcast_in_dim3A_23 = vector.shape_cast %get3A_22 : vector<128xf32> to vector<1x128xf32>
    %add3A_24 = vector.broadcast %broadcast_in_dim3A_23 : vector<1x128xf32> to vector<512x128xf32>
    %add3A_25 = arith.addf %add3A_18, %add3A_24 : vector<512x128xf32>
    %max3A = arith.constant 0.000000e+00 : f32
    %max3A_26 = vector.broadcast %max3A : f32 to vector<512x128xf32>
    %max3A_27 = arith.maximumf %add3A_25, %max3A_26 : vector<512x128xf32>
    %sub3A = arith.constant 3 : i32
    %sub3A_28 = arith.subi %get3A_9, %sub3A : i32
    %le3A = vector.broadcast %sub3A_28 : i32 to vector<512x128xi32>
    %le3A_29 = arith.cmpi sle, %iota3A, %le3A : vector<512x128xi32>
    %jit3A = arith.constant 0xFF800000 : f32
    %broadcast_in_dim3A_30 = vector.broadcast %jit3A : f32 to vector<512x128xf32>
    %select_n3A = arith.select %le3A_29, %max3A_27, %broadcast_in_dim3A_30 : vector<512x128xi1>, vector<512x128xf32>
    %reduce_max3A = arith.constant dense<0xFF800000> : vector<128xf32>
    %reduce_max3A_31 = vector.multi_reduction <maximumf>, %select_n3A, %reduce_max3A [0] : vector<512x128xf32> to vector<128xf32>
    %swap3A = arith.constant 0 : index
    %swap3A_32 = arith.constant 0 : index
    %swap3A_33 = arith.constant 0 : index
    %swap3A_34 = vector.load %arg5[%swap3A, %swap3A_32, %swap3A_33] : memref<1x1x384xf32, #tpu.memory_space<vmem>>, vector<1x1x128xf32>
    %swap3A_35 = vector.shape_cast %swap3A_34 : vector<1x1x128xf32> to vector<128xf32>
    %swap3A_36 = vector.shape_cast %reduce_max3A_31 : vector<128xf32> to vector<1x1x128xf32>
    tpu.vector_store %arg5[%swap3A, %swap3A_32, %swap3A_33], %swap3A_36 {strides = array<i32>} : memref<1x1x384xf32, #tpu.memory_space<vmem>>, vector<1x1x128xf32>,
    %slice3A_37 = vector.extract_strided_slice %dot_general3A_5 {offsets = [0, 384], sizes = [512, 128], strides = [1, 1]} : vector<512x1536xf32> to vector<512x128xf32>
    %slice3A_38 = vector.extract_strided_slice %dot_general3A_5 {offsets = [0, 512], sizes = [512, 128], strides = [1, 1]} : vector<512x1536xf32> to vector<512x128xf32>
    %slice3A_39 = vector.extract_strided_slice %slice3A_38 {offsets = [1, 0], sizes = [511, 128], strides = [1, 1]} : vector<512x128xf32> to vector<511x128xf32>
    %broadcast_in_dim3A_40 = arith.constant 0.000000e+00 : f32
    %broadcast_in_dim3A_41 = vector.broadcast %broadcast_in_dim3A_40 : f32 to vector<1x128xf32>
    %concatenate3A_42 = tpu.concatenate %slice3A_39, %broadcast_in_dim3A_41 in 0 : vector<511x128xf32>, vector<1x128xf32> -> vector<512x128xf32>
    %add3A_43 = arith.addf %slice3A_37, %concatenate3A_42 : vector<512x128xf32>
    %slice3A_44 = vector.extract_strided_slice %dot_general3A_5 {offsets = [0, 640], sizes = [512, 128], strides = [1, 1]} : vector<512x1536xf32> to vector<512x128xf32>
    %slice3A_45 = vector.extract_strided_slice %slice3A_44 {offsets = [2, 0], sizes = [510, 128], strides = [1, 1]} : vector<512x128xf32> to vector<510x128xf32>
    %broadcast_in_dim3A_46 = arith.constant 0.000000e+00 : f32
    %broadcast_in_dim3A_47 = vector.broadcast %broadcast_in_dim3A_46 : f32 to vector<2x128xf32>
    %concatenate3A_48 = tpu.concatenate %slice3A_45, %broadcast_in_dim3A_47 in 0 : vector<510x128xf32>, vector<2x128xf32> -> vector<512x128xf32>
    %add3A_49 = arith.addf %add3A_43, %concatenate3A_48 : vector<512x128xf32>
    %slice3A_50 = vector.extract_strided_slice %dot_general3A_5 {offsets = [0, 768], sizes = [512, 128], strides = [1, 1]} : vector<512x1536xf32> to vector<512x128xf32>
    %slice3A_51 = vector.extract_strided_slice %slice3A_50 {offsets = [3, 0], sizes = [509, 128], strides = [1, 1]} : vector<512x128xf32> to vector<509x128xf32>
    %broadcast_in_dim3A_52 = arith.constant 0.000000e+00 : f32
    %broadcast_in_dim3A_53 = vector.broadcast %broadcast_in_dim3A_52 : f32 to vector<3x128xf32>
    %concatenate3A_54 = tpu.concatenate %slice3A_51, %broadcast_in_dim3A_53 in 0 : vector<509x128xf32>, vector<3x128xf32> -> vector<512x128xf32>
    %add3A_55 = arith.addf %add3A_49, %concatenate3A_54 : vector<512x128xf32>
    %get3A_56 = arith.constant 0 : index
    %get3A_57 = arith.constant 128 : index
    %get3A_58 = vector.load %arg3[%get3A_56, %get3A_57] : memref<1x384xf32, #tpu.memory_space<vmem>>, vector<1x128xf32>
    %get3A_59 = vector.shape_cast %get3A_58 : vector<1x128xf32> to vector<128xf32>
    %broadcast_in_dim3A_60 = vector.shape_cast %get3A_59 : vector<128xf32> to vector<1x128xf32>
    %add3A_61 = vector.broadcast %broadcast_in_dim3A_60 : vector<1x128xf32> to vector<512x128xf32>
    %add3A_62 = arith.addf %add3A_55, %add3A_61 : vector<512x128xf32>
    %max3A_63 = arith.constant 0.000000e+00 : f32
    %max3A_64 = vector.broadcast %max3A_63 : f32 to vector<512x128xf32>
    %max3A_65 = arith.maximumf %add3A_62, %max3A_64 : vector<512x128xf32>
    %sub3A_66 = arith.constant 4 : i32
    %sub3A_67 = arith.subi %get3A_9, %sub3A_66 : i32
    %le3A_68 = vector.broadcast %sub3A_67 : i32 to vector<512x128xi32>
    %le3A_69 = arith.cmpi sle, %iota3A, %le3A_68 : vector<512x128xi32>
    %jit3A_70 = arith.constant 0xFF800000 : f32
    %broadcast_in_dim3A_71 = vector.broadcast %jit3A_70 : f32 to vector<512x128xf32>
    %select_n3A_72 = arith.select %le3A_69, %max3A_65, %broadcast_in_dim3A_71 : vector<512x128xi1>, vector<512x128xf32>
    %reduce_max3A_73 = arith.constant dense<0xFF800000> : vector<128xf32>
    %reduce_max3A_74 = vector.multi_reduction <maximumf>, %select_n3A_72, %reduce_max3A_73 [0] : vector<512x128xf32> to vector<128xf32>
    %swap3A_75 = arith.constant 0 : index
    %swap3A_76 = arith.constant 0 : index
    %swap3A_77 = arith.constant 128 : index
    %swap3A_78 = vector.load %arg5[%swap3A_75, %swap3A_76, %swap3A_77] : memref<1x1x384xf32, #tpu.memory_space<vmem>>, vector<1x1x128xf32>
    %swap3A_79 = vector.shape_cast %swap3A_78 : vector<1x1x128xf32> to vector<128xf32>
    %swap3A_80 = vector.shape_cast %reduce_max3A_74 : vector<128xf32> to vector<1x1x128xf32>
    tpu.vector_store %arg5[%swap3A_75, %swap3A_76, %swap3A_77], %swap3A_80 {strides = array<i32>} : memref<1x1x384xf32, #tpu.memory_space<vmem>>, vector<1x1x128xf32>,
    %slice3A_81 = vector.extract_strided_slice %dot_general3A_5 {offsets = [0, 896], sizes = [512, 128], strides = [1, 1]} : vector<512x1536xf32> to vector<512x128xf32>
    %slice3A_82 = vector.extract_strided_slice %dot_general3A_5 {offsets = [0, 1024], sizes = [512, 128], strides = [1, 1]} : vector<512x1536xf32> to vector<512x128xf32>
    %slice3A_83 = vector.extract_strided_slice %slice3A_82 {offsets = [1, 0], sizes = [511, 128], strides = [1, 1]} : vector<512x128xf32> to vector<511x128xf32>
    %broadcast_in_dim3A_84 = arith.constant 0.000000e+00 : f32
    %broadcast_in_dim3A_85 = vector.broadcast %broadcast_in_dim3A_84 : f32 to vector<1x128xf32>
    %concatenate3A_86 = tpu.concatenate %slice3A_83, %broadcast_in_dim3A_85 in 0 : vector<511x128xf32>, vector<1x128xf32> -> vector<512x128xf32>
    %add3A_87 = arith.addf %slice3A_81, %concatenate3A_86 : vector<512x128xf32>
    %slice3A_88 = vector.extract_strided_slice %dot_general3A_5 {offsets = [0, 1152], sizes = [512, 128], strides = [1, 1]} : vector<512x1536xf32> to vector<512x128xf32>
    %slice3A_89 = vector.extract_strided_slice %slice3A_88 {offsets = [2, 0], sizes = [510, 128], strides = [1, 1]} : vector<512x128xf32> to vector<510x128xf32>
    %broadcast_in_dim3A_90 = arith.constant 0.000000e+00 : f32
    %broadcast_in_dim3A_91 = vector.broadcast %broadcast_in_dim3A_90 : f32 to vector<2x128xf32>
    %concatenate3A_92 = tpu.concatenate %slice3A_89, %broadcast_in_dim3A_91 in 0 : vector<510x128xf32>, vector<2x128xf32> -> vector<512x128xf32>
    %add3A_93 = arith.addf %add3A_87, %concatenate3A_92 : vector<512x128xf32>
    %slice3A_94 = vector.extract_strided_slice %dot_general3A_5 {offsets = [0, 1280], sizes = [512, 128], strides = [1, 1]} : vector<512x1536xf32> to vector<512x128xf32>
    %slice3A_95 = vector.extract_strided_slice %slice3A_94 {offsets = [3, 0], sizes = [509, 128], strides = [1, 1]} : vector<512x128xf32> to vector<509x128xf32>
    %broadcast_in_dim3A_96 = arith.constant 0.000000e+00 : f32
    %broadcast_in_dim3A_97 = vector.broadcast %broadcast_in_dim3A_96 : f32 to vector<3x128xf32>
    %concatenate3A_98 = tpu.concatenate %slice3A_95, %broadcast_in_dim3A_97 in 0 : vector<509x128xf32>, vector<3x128xf32> -> vector<512x128xf32>
    %add3A_99 = arith.addf %add3A_93, %concatenate3A_98 : vector<512x128xf32>
    %slice3A_100 = vector.extract_strided_slice %dot_general3A_5 {offsets = [0, 1408], sizes = [512, 128], strides = [1, 1]} : vector<512x1536xf32> to vector<512x128xf32>
    %slice3A_101 = vector.extract_strided_slice %slice3A_100 {offsets = [4, 0], sizes = [508, 128], strides = [1, 1]} : vector<512x128xf32> to vector<508x128xf32>
    %broadcast_in_dim3A_102 = arith.constant 0.000000e+00 : f32
    %broadcast_in_dim3A_103 = vector.broadcast %broadcast_in_dim3A_102 : f32 to vector<4x128xf32>
    %concatenate3A_104 = tpu.concatenate %slice3A_101, %broadcast_in_dim3A_103 in 0 : vector<508x128xf32>, vector<4x128xf32> -> vector<512x128xf32>
    %add3A_105 = arith.addf %add3A_99, %concatenate3A_104 : vector<512x128xf32>
    %get3A_106 = arith.constant 0 : index
    %get3A_107 = arith.constant 256 : index
    %get3A_108 = vector.load %arg3[%get3A_106, %get3A_107] : memref<1x384xf32, #tpu.memory_space<vmem>>, vector<1x128xf32>
    %get3A_109 = vector.shape_cast %get3A_108 : vector<1x128xf32> to vector<128xf32>
    %broadcast_in_dim3A_110 = vector.shape_cast %get3A_109 : vector<128xf32> to vector<1x128xf32>
    %add3A_111 = vector.broadcast %broadcast_in_dim3A_110 : vector<1x128xf32> to vector<512x128xf32>
    %add3A_112 = arith.addf %add3A_105, %add3A_111 : vector<512x128xf32>
    %max3A_113 = arith.constant 0.000000e+00 : f32
    %max3A_114 = vector.broadcast %max3A_113 : f32 to vector<512x128xf32>
    %max3A_115 = arith.maximumf %add3A_112, %max3A_114 : vector<512x128xf32>
    %sub3A_116 = arith.constant 5 : i32
    %sub3A_117 = arith.subi %get3A_9, %sub3A_116 : i32
    %le3A_118 = vector.broadcast %sub3A_117 : i32 to vector<512x128xi32>
    %le3A_119 = arith.cmpi sle, %iota3A, %le3A_118 : vector<512x128xi32>
    %jit3A_120 = arith.constant 0xFF800000 : f32
    %broadcast_in_dim3A_121 = vector.broadcast %jit3A_120 : f32 to vector<512x128xf32>
    %select_n3A_122 = arith.select %le3A_119, %max3A_115, %broadcast_in_dim3A_121 : vector<512x128xi1>, vector<512x128xf32>
    %reduce_max3A_123 = arith.constant dense<0xFF800000> : vector<128xf32>
    %reduce_max3A_124 = vector.multi_reduction <maximumf>, %select_n3A_122, %reduce_max3A_123 [0] : vector<512x128xf32> to vector<128xf32>
    %swap3A_125 = arith.constant 0 : index
    %swap3A_126 = arith.constant 0 : index
    %swap3A_127 = arith.constant 256 : index
    %swap3A_128 = vector.load %arg5[%swap3A_125, %swap3A_126, %swap3A_127] : memref<1x1x384xf32, #tpu.memory_space<vmem>>, vector<1x1x128xf32>
    %swap3A_129 = vector.shape_cast %swap3A_128 : vector<1x1x128xf32> to vector<128xf32>
    %swap3A_130 = vector.shape_cast %reduce_max3A_124 : vector<128xf32> to vector<1x1x128xf32>
    tpu.vector_store %arg5[%swap3A_125, %swap3A_126, %swap3A_127], %swap3A_130 {strides = array<i32>} : memref<1x1x384xf32, #tpu.memory_space<vmem>>, vector<1x1x128xf32>,
    return
  }
  func.func @transform_0(%arg0: i32) -> (i32, i32) {
    %c0_i32 = arith.constant 0 : i32
    %c0_i32_0 = arith.constant 0 : i32
    return %arg0, %c0_i32 : i32, i32
  }
  func.func @transform_1(%arg0: i32) -> (i32, i32) {
    %c0_i32 = arith.constant 0 : i32
    %c0_i32_0 = arith.constant 0 : i32
    %c0_i32_1 = arith.constant 0 : i32
    return %c0_i32, %c0_i32_0 : i32, i32
  }
  func.func @transform_2(%arg0: i32) -> (i32, i32) {
    %c0_i32 = arith.constant 0 : i32
    %c0_i32_0 = arith.constant 0 : i32
    %c0_i32_1 = arith.constant 0 : i32
    return %c0_i32, %c0_i32_0 : i32, i32
  }
  func.func @transform_3(%arg0: i32) -> (i32, i32) {
    %c0_i32 = arith.constant 0 : i32
    %c0_i32_0 = arith.constant 0 : i32
    %c0_i32_1 = arith.constant 0 : i32
    return %c0_i32, %c0_i32_0 : i32, i32
  }
  func.func @transform_4(%arg0: i32) -> (i32, i32, i32) {
    %c0_i32 = arith.constant 0 : i32
    %c0_i32_0 = arith.constant 0 : i32
    %c0_i32_1 = arith.constant 0 : i32
    return %arg0, %c0_i32, %c0_i32_0 : i32, i32, i32
  }
}

module attributes {stable_mosaic.version = 14 : i64} {
  func.func @_fc_body(%arg0: memref<256x384xf32, #tpu.memory_space<vmem>>, %arg1: memref<384x256xf32, #tpu.memory_space<vmem>>, %arg2: memref<1x256xf32, #tpu.memory_space<vmem>>, %arg3: memref<256x256xf32, #tpu.memory_space<vmem>>) attributes {dimension_semantics = [], scalar_prefetch = 0 : i64, scratch_operands = 0 : i64, tpu.core_type = #tpu.core_type<tc>} {
    %get3A = arith.constant 0 : index
    %get3A_0 = arith.constant 0 : index
    %get3A_1 = vector.load %arg0[%get3A, %get3A_0] : memref<256x384xf32, #tpu.memory_space<vmem>>, vector<256x384xf32>
    %get3A_2 = arith.constant 0 : index
    %get3A_3 = arith.constant 0 : index
    %get3A_4 = vector.load %arg1[%get3A_2, %get3A_3] : memref<384x256xf32, #tpu.memory_space<vmem>>, vector<384x256xf32>
    %dot_general3A = arith.constant dense<0.000000e+00> : vector<256x256xf32>
    %dot_general3A_5 = tpu.matmul %get3A_1, %get3A_4, %dot_general3A {dimension_numbers = #tpu.dot_dimension_numbers<[1], [0], [0], [1], [0, 0, 1, 1], [], []>, transpose_lhs_hint = false} : vector<256x384xf32>, vector<384x256xf32>, vector<256x256xf32> -> vector<256x256xf32>
    %get3A_6 = arith.constant 0 : index
    %get3A_7 = arith.constant 0 : index
    %get3A_8 = vector.load %arg2[%get3A_6, %get3A_7] : memref<1x256xf32, #tpu.memory_space<vmem>>, vector<1x256xf32>
    %add3A = vector.broadcast %get3A_8 : vector<1x256xf32> to vector<256x256xf32>
    %add3A_9 = arith.addf %dot_general3A_5, %add3A : vector<256x256xf32>
    %logistic3A = arith.negf %add3A_9 : vector<256x256xf32>
    %logistic3A_10 = math.exp %logistic3A : vector<256x256xf32>
    %logistic3A_11 = arith.constant 1.000000e+00 : f32
    %logistic3A_12 = vector.broadcast %logistic3A_11 : f32 to vector<256x256xf32>
    %logistic3A_13 = arith.addf %logistic3A_12, %logistic3A_10 : vector<256x256xf32>
    %logistic3A_14 = arith.divf %logistic3A_12, %logistic3A_13 : vector<256x256xf32>
    %swap3A = arith.constant 0 : index
    %swap3A_15 = arith.constant 0 : index
    %swap3A_16 = vector.load %arg3[%swap3A, %swap3A_15] : memref<256x256xf32, #tpu.memory_space<vmem>>, vector<256x256xf32>
    tpu.vector_store %arg3[%swap3A, %swap3A_15], %logistic3A_14 {strides = array<i32>} : memref<256x256xf32, #tpu.memory_space<vmem>>, vector<256x256xf32>,
    return
  }
}

module attributes {stable_mosaic.version = 14 : i64} {
  func.func @_final_body(%arg0: i32, %arg1: memref<1000x128xf32, #tpu.memory_space<vmem>>, %arg2: memref<1000x128xf32, #tpu.memory_space<vmem>>, %arg3: memref<1000x128xf32, #tpu.memory_space<vmem>>, %arg4: memref<1000x128xf32, #tpu.memory_space<vmem>>, %arg5: memref<128x256xf32, #tpu.memory_space<vmem>>, %arg6: memref<128x256xf32, #tpu.memory_space<vmem>>, %arg7: memref<1x256xf32, #tpu.memory_space<vmem>>, %arg8: memref<256x256xf32, #tpu.memory_space<vmem>>, %arg9: memref<1x256x1000xf32, #tpu.memory_space<vmem>>) attributes {dimension_semantics = [#tpu.dimension_semantics<arbitrary>], iteration_bounds = array<i64: 10>, scalar_prefetch = 0 : i64, scratch_operands = 0 : i64, tpu.core_type = #tpu.core_type<tc>, window_params = [{transform_indices = @transform_0, window_bounds = array<i64: 1000, 128>}, {transform_indices = @transform_1, window_bounds = array<i64: 1000, 128>}, {transform_indices = @transform_2, window_bounds = array<i64: 1000, 128>}, {transform_indices = @transform_3, window_bounds = array<i64: 1000, 128>}, {pipeline_mode = #tpu.pipeline_mode<synchronous>, transform_indices = @transform_4, window_bounds = array<i64: 128, 256>}, {pipeline_mode = #tpu.pipeline_mode<synchronous>, transform_indices = @transform_5, window_bounds = array<i64: 128, 256>}, {pipeline_mode = #tpu.pipeline_mode<synchronous>, transform_indices = @transform_6, window_bounds = array<i64: 1, 256>}, {pipeline_mode = #tpu.pipeline_mode<synchronous>, transform_indices = @transform_7, window_bounds = array<i64: 256, 256>}, {transform_indices = @transform_8, window_bounds = array<i64: 1, 256, 1000>}]} {
    %get3A = arith.constant 0 : index
    %get3A_0 = arith.constant 0 : index
    %get3A_1 = vector.load %arg1[%get3A, %get3A_0] : memref<1000x128xf32, #tpu.memory_space<vmem>>, vector<1000x128xf32>
    %get3A_2 = arith.constant 0 : index
    %get3A_3 = arith.constant 0 : index
    %get3A_4 = vector.load %arg2[%get3A_2, %get3A_3] : memref<1000x128xf32, #tpu.memory_space<vmem>>, vector<1000x128xf32>
    %add3A = arith.addf %get3A_1, %get3A_4 : vector<1000x128xf32>
    %get3A_5 = arith.constant 0 : index
    %get3A_6 = arith.constant 0 : index
    %get3A_7 = vector.load %arg3[%get3A_5, %get3A_6] : memref<1000x128xf32, #tpu.memory_space<vmem>>, vector<1000x128xf32>
    %get3A_8 = arith.constant 0 : index
    %get3A_9 = arith.constant 0 : index
    %get3A_10 = vector.load %arg4[%get3A_8, %get3A_9] : memref<1000x128xf32, #tpu.memory_space<vmem>>, vector<1000x128xf32>
    %add3A_11 = arith.addf %get3A_7, %get3A_10 : vector<1000x128xf32>
    %get3A_12 = arith.constant 0 : index
    %get3A_13 = arith.constant 0 : index
    %get3A_14 = vector.load %arg5[%get3A_12, %get3A_13] : memref<128x256xf32, #tpu.memory_space<vmem>>, vector<128x256xf32>
    %dot_general3A = arith.constant dense<0.000000e+00> : vector<1000x256xf32>
    %dot_general3A_15 = tpu.matmul %add3A, %get3A_14, %dot_general3A {dimension_numbers = #tpu.dot_dimension_numbers<[1], [0], [0], [1], [0, 0, 1, 1], [], []>, transpose_lhs_hint = false} : vector<1000x128xf32>, vector<128x256xf32>, vector<1000x256xf32> -> vector<1000x256xf32>
    %get3A_16 = arith.constant 0 : index
    %get3A_17 = arith.constant 0 : index
    %get3A_18 = vector.load %arg6[%get3A_16, %get3A_17] : memref<128x256xf32, #tpu.memory_space<vmem>>, vector<128x256xf32>
    %dot_general3A_19 = arith.constant dense<0.000000e+00> : vector<1000x256xf32>
    %dot_general3A_20 = tpu.matmul %add3A_11, %get3A_18, %dot_general3A_19 {dimension_numbers = #tpu.dot_dimension_numbers<[1], [0], [0], [1], [0, 0, 1, 1], [], []>, transpose_lhs_hint = false} : vector<1000x128xf32>, vector<128x256xf32>, vector<1000x256xf32> -> vector<1000x256xf32>
    %add3A_21 = arith.addf %dot_general3A_15, %dot_general3A_20 : vector<1000x256xf32>
    %get3A_22 = arith.constant 0 : index
    %get3A_23 = arith.constant 0 : index
    %get3A_24 = vector.load %arg7[%get3A_22, %get3A_23] : memref<1x256xf32, #tpu.memory_space<vmem>>, vector<1x256xf32>
    %add3A_25 = vector.broadcast %get3A_24 : vector<1x256xf32> to vector<1000x256xf32>
    %add3A_26 = arith.addf %add3A_21, %add3A_25 : vector<1000x256xf32>
    %get3A_27 = arith.constant 0 : index
    %get3A_28 = arith.constant 0 : index
    %get3A_29 = vector.load %arg8[%get3A_27, %get3A_28] : memref<256x256xf32, #tpu.memory_space<vmem>>, vector<256x256xf32>
    %dot_general3A_30 = arith.constant dense<0.000000e+00> : vector<256x1000xf32>
    %dot_general3A_31 = tpu.matmul %get3A_29, %add3A_26, %dot_general3A_30 {dimension_numbers = #tpu.dot_dimension_numbers<[1], [1], [0], [0], [0, 0, 1, 0], [], []>, transpose_lhs_hint = false} : vector<256x256xf32>, vector<1000x256xf32>, vector<256x1000xf32> -> vector<256x1000xf32>
    %logistic3A = arith.negf %dot_general3A_31 : vector<256x1000xf32>
    %logistic3A_32 = math.exp %logistic3A : vector<256x1000xf32>
    %logistic3A_33 = arith.constant 1.000000e+00 : f32
    %logistic3A_34 = vector.broadcast %logistic3A_33 : f32 to vector<256x1000xf32>
    %logistic3A_35 = arith.addf %logistic3A_34, %logistic3A_32 : vector<256x1000xf32>
    %logistic3A_36 = arith.divf %logistic3A_34, %logistic3A_35 : vector<256x1000xf32>
    %swap3A = arith.constant 0 : index
    %swap3A_37 = arith.constant 0 : index
    %swap3A_38 = arith.constant 0 : index
    %swap3A_39 = vector.load %arg9[%swap3A, %swap3A_37, %swap3A_38] : memref<1x256x1000xf32, #tpu.memory_space<vmem>>, vector<1x256x1000xf32>
    %swap3A_40 = vector.shape_cast %swap3A_39 : vector<1x256x1000xf32> to vector<256x1000xf32>
    %swap3A_41 = vector.shape_cast %logistic3A_36 : vector<256x1000xf32> to vector<1x256x1000xf32>
    tpu.vector_store %arg9[%swap3A, %swap3A_37, %swap3A_38], %swap3A_41 {strides = array<i32>} : memref<1x256x1000xf32, #tpu.memory_space<vmem>>, vector<1x256x1000xf32>,
    return
  }
  func.func @transform_0(%arg0: i32) -> (i32, i32) {
    %c0_i32 = arith.constant 0 : i32
    %c0_i32_0 = arith.constant 0 : i32
    return %arg0, %c0_i32 : i32, i32
  }
  func.func @transform_1(%arg0: i32) -> (i32, i32) {
    %c0_i32 = arith.constant 0 : i32
    %c0_i32_0 = arith.constant 0 : i32
    return %arg0, %c0_i32 : i32, i32
  }
  func.func @transform_2(%arg0: i32) -> (i32, i32) {
    %c0_i32 = arith.constant 0 : i32
    %c0_i32_0 = arith.constant 0 : i32
    return %arg0, %c0_i32 : i32, i32
  }
  func.func @transform_3(%arg0: i32) -> (i32, i32) {
    %c0_i32 = arith.constant 0 : i32
    %c0_i32_0 = arith.constant 0 : i32
    return %arg0, %c0_i32 : i32, i32
  }
  func.func @transform_4(%arg0: i32) -> (i32, i32) {
    %c0_i32 = arith.constant 0 : i32
    %c0_i32_0 = arith.constant 0 : i32
    %c0_i32_1 = arith.constant 0 : i32
    return %c0_i32, %c0_i32_0 : i32, i32
  }
  func.func @transform_5(%arg0: i32) -> (i32, i32) {
    %c0_i32 = arith.constant 0 : i32
    %c0_i32_0 = arith.constant 0 : i32
    %c0_i32_1 = arith.constant 0 : i32
    return %c0_i32, %c0_i32_0 : i32, i32
  }
  func.func @transform_6(%arg0: i32) -> (i32, i32) {
    %c0_i32 = arith.constant 0 : i32
    %c0_i32_0 = arith.constant 0 : i32
    %c0_i32_1 = arith.constant 0 : i32
    return %c0_i32, %c0_i32_0 : i32, i32
  }
  func.func @transform_7(%arg0: i32) -> (i32, i32) {
    %c0_i32 = arith.constant 0 : i32
    %c0_i32_0 = arith.constant 0 : i32
    %c0_i32_1 = arith.constant 0 : i32
    return %c0_i32, %c0_i32_0 : i32, i32
  }
  func.func @transform_8(%arg0: i32) -> (i32, i32, i32) {
    %c0_i32 = arith.constant 0 : i32
    %c0_i32_0 = arith.constant 0 : i32
    %c0_i32_1 = arith.constant 0 : i32
    return %arg0, %c0_i32, %c0_i32_0 : i32, i32, i32
  }
}

</mosaic_0001>

<sc_bundles>
// kernel: kernel.10.cloned.1.call-start
scs
__scs_entry_jumppad:
0x0: {  	(pc) =	sbr.rel $0x88, $3  }
0x1: {  	(tag) =	ssettag $0x0;
	lr =	simm.s32 $0x1  }
0x2: {  	[smem:$0x3F91] =	sst lr;
	_ =	strace $0xD0000000  }
0x3: {  	_ = 	snop  }
0x4: {  	_ = 	snop  }
0x5: {  	_ = 	snop  }
0x6: {  	_ = 	snop  }
0x7: {  	_ = 	snop  }
__scs_overlays_trampoline_lowered:
0x8: {  	[smem:$0x3FA0] =	sst s0  }
0x9: {  	[smem:$0x3FA1] =	sst s1  }
0xa: {  	[smem:$0x3FA2] =	sst s2  }
0xb: {  	[smem:$0x3FA3] =	sst s3  }
0xc: {  	[smem:$0x3FA4] =	sst s4  }
0xd: {  	[smem:$0x3FA5] =	sst s5  }
0xe: {  	[smem:$0x3FA6] =	sst s6  }
0xf: {  	[smem:$0x3FA7] =	sst s7  }
0x10: {  	[smem:$0x3FA8] =	sst s8  }
0x11: {  	[smem:$0x3FA9] =	sst s9;
	s0 =	simm.s32 @!p0 $0x0  }
0x12: {  	s1 =	sld [smem:$0x3F8F];
	s0 =	simm.s32 @p0 $0x1  }
0x13: {  	[smem:$0x3FAA] =	sst s0;
	s0 =	simm.s32 @!p1 $0x0  }
0x14: {  	s2 =	sld [smem:$0x3F8E];
	s0 =	simm.s32 @p1 $0x1  }
0x15: {  	[smem:$0x3FAB] =	sst s0;
	s0 =	simm.s32 @!p2 $0x0  }
0x16: {  	s3 =	sld [smem:$0x3FDB];
	s0 =	simm.s32 @p2 $0x1  }
0x17: {  	s4 =	simm.s32 $0x1BF5;
	[smem:$0x3FAD] =	sst s0  }
0x18: {  	s0 =	sld [smem:$0x3F90];
	_ =	swait.ge [sflag:s4], $0x0  }
0x19: {  	s7 =	sld [smem:$0x3F91]  }
0x1a: {  	s8 =	sadd.s32 $0xFFFFE003, lr  }
0x1b: {  	s9 =	sadd.s32 $0xFFFFFEF7, lr;
	s5 =	simm.s32 $0xFFFFFFFF;
	p2 =	slt.u32 s8, $0xFFFFF086  }
0x1c: {  	p1 =	slt.u32 s9, $0xF7A;
	s5 =	simm.s32 @!p2 $0x0  }
0x1d: {  	s5 =	simm.s32 @p1 $0x1;
	p0 =	seq.s32 s7, s2  }
0x1e: {  	s7 =	smul.u32 @!p0 $0xF7A, s2;
	p2 =	seq.s32 @!p0 s5, $0x0  }
0x1f: {  	s9 =	smul.u32 $0xF7A, s1;
	s8 =	simm.s32 @!p0 $0x1BF5;
	p2 =	por !p2, p0  }
0x20: {  	[sflag:s8] =	ssyncset.s32 @!p0 $0xFFFFF086;
	s6 =	sadd.s32 @!p0 s3, s7;
	s7 =	simm.s32 @!p0 $0x108  }
0x21: {  	s3 =	sadd.s32 s3, s9;
	s6 =	sadd.s32 @!p0 $0x88, s6;
	s7 =	simm.s32 @p2 $0x1082  }
0x22: {  	[simem:s7], [sflag:s8] =	dma.local @!p0 [hbm:s6], $0xF7A  }
0x23: {  	s9 =	sor.u32 $0xD0000000, s2;
	s6 =	simm.s32 $0x108;
	_ =	swait.ge @!p0 [sflag:s8], $0x0  }
0x24: {  	s3 =	sadd.s32 $0x88, s3;
	s6 =	simm.s32 @!p1 $0x1082;
	[sflag:s4] =	ssyncset.s32 $0xFFFFF086  }
0x25: {  	[simem:s6], [sflag:s4] =	dma.local [hbm:s3], $0xF7A  }
0x26: {  	[smem:$0x3F91] =	sst s1;
	(tag) =	ssettag s2;
	_ =	strace s9  }
0x27: {  	s1 =	sld [smem:$0x3FA1]  }
0x28: {  	s2 =	sld [smem:$0x3FA2]  }
0x29: {  	s4 =	sld [smem:$0x3FA4]  }
0x2a: {  	p0 =	seq.s32 s5, $0x0;
	s5 =	sld [smem:$0x3FA5]  }
0x2b: {  	s6 =	sld [smem:$0x3FA6]  }
0x2c: {  	s7 =	sld [smem:$0x3FA7]  }
0x2d: {  	s3 =	simm.s32 $0x108;
	s8 =	sld [smem:$0x3FA8]  }
0x2e: {  	s3 =	simm.s32 @!p0 $0x1082;
	s9 =	sld [smem:$0x3FA9]  }
0x2f: {  	lr =	sadd.s32 s0, s3;
	s0 =	sld [smem:$0x3FA0]  }
0x30: {  	s3 =	sld [smem:$0x3FA3]  }
0x31: {  	[smem:$0x3FAC] =	sst s10  }
0x32: {  	s10 =	sld [smem:$0x3FAA];
	_ =	sdelay $0x3  }
0x33: {  	p0 =	seq.s32 s10, $0x1;
	s10 =	sld [smem:$0x3FAC];
	_ =	sdelay $0x3  }
0x34: {  	[smem:$0x3FAC] =	sst s10  }
0x35: {  	s10 =	sld [smem:$0x3FAB];
	_ =	sdelay $0x3  }
0x36: {  	p1 =	seq.s32 s10, $0x1;
	s10 =	sld [smem:$0x3FAC];
	_ =	sdelay $0x3  }
0x37: {  	[smem:$0x3FAC] =	sst s10  }
0x38: {  	s10 =	sld [smem:$0x3FAD]  }
0x39: {  	_ = 	snop;
	(pc) =	sbr.ind lr, $3  }
0x3a: {  	_ = 	snop  }
0x3b: {  	_ = 	snop  }
0x3c: {  	p2 =	seq.s32 s10, $0x1;
	s10 =	sld [smem:$0x3FAC]  }
0x3d: {  	_ =	shalt  }
0x3e: {  	_ =	shalt  }
0x3f: {  	_ =	shalt  }
0x40: {  	_ =	shalt  }
0x41: {  	_ =	shalt  }
0x42: {  	_ =	shalt  }
0x43: {  	_ =	shalt  }
0x44: {  	_ =	shalt  }
0x45: {  	_ =	shalt  }
0x46: {  	_ =	shalt  }
0x47: {  	_ =	shalt  }
0x48: {  	_ =	shalt  }
0x49: {  	_ =	shalt  }
0x4a: {  	_ =	shalt  }
0x4b: {  	_ =	shalt  }
0x4c: {  	_ =	shalt  }
0x4d: {  	_ =	shalt  }
0x4e: {  	_ =	shalt  }
0x4f: {  	_ =	shalt  }
0x50: {  	_ =	shalt  }
0x51: {  	_ =	shalt  }
0x52: {  	_ =	shalt  }
0x53: {  	_ =	shalt  }
0x54: {  	_ =	shalt  }
0x55: {  	_ =	shalt  }
0x56: {  	_ =	shalt  }
0x57: {  	_ =	shalt  }
0x58: {  	_ =	shalt  }
0x59: {  	_ =	shalt  }
0x5a: {  	_ =	shalt  }
0x5b: {  	_ =	shalt  }
0x5c: {  	_ =	shalt  }
0x5d: {  	_ =	shalt  }
0x5e: {  	_ =	shalt  }
0x5f: {  	_ =	shalt  }
0x60: {  	_ =	shalt  }
0x61: {  	_ =	shalt  }
0x62: {  	_ =	shalt  }
0x63: {  	_ =	shalt  }
0x64: {  	_ =	shalt  }
0x65: {  	_ =	shalt  }
0x66: {  	_ =	shalt  }
0x67: {  	_ =	shalt  }
0x68: {  	_ =	shalt  }
0x69: {  	_ =	shalt  }
0x6a: {  	_ =	shalt  }
0x6b: {  	_ =	shalt  }
0x6c: {  	_ =	shalt  }
0x6d: {  	_ =	shalt  }
0x6e: {  	_ =	shalt  }
0x6f: {  	_ =	shalt  }
0x70: {  	_ =	shalt  }
0x71: {  	_ =	shalt  }
0x72: {  	_ =	shalt  }
0x73: {  	_ =	shalt  }
0x74: {  	_ =	shalt  }
0x75: {  	_ =	shalt  }
0x76: {  	_ =	shalt  }
0x77: {  	_ =	shalt  }
0x78: {  	_ =	shalt  }
0x79: {  	_ =	shalt  }
0x7a: {  	_ =	shalt  }
0x7b: {  	_ =	shalt  }
0x7c: {  	_ =	shalt  }
0x7d: {  	_ =	shalt  }
0x7e: {  	_ =	shalt  }
0x7f: {  	_ =	shalt  }
0x80: {  	_ =	shalt  }
0x81: {  	_ =	shalt  }
0x82: {  	_ =	shalt  }
0x83: {  	_ =	shalt  }
0x84: {  	_ =	shalt  }
0x85: {  	_ =	shalt  }
0x86: {  	_ =	shalt  }
0x87: {  	_ =	shalt  }
.Lfunc_end0:
.L_simem_size_0:
called_computation_lowered:
.L_overlay_start_0:
0x88: {  	s2 =	sld [smem:$0x3FD9]  }
0x89: {  	s3 =	sld [smem:$0x3FFE];
	_ =	sdelay $0x1  }
0x8a: {  	s1 =	srdreg.scid  }
0x8b: {  	s0 =	sand.u32 $0x1, s1  }
0x8c: {  	s17 =	sshll.u32 s0, $0xA;
	s2 =	sadd.s32 s3, s2  }
0x8d: {  	s2 =	sadd.s32 s2, s17  }
0x8e: {  	[smem:$0x3FB8] =	sst s2  }
0x8f: {  	_ = 	snop  }
0x90: {  	(tm) =	ssettm $0x1  }
0x91: {  	s18 =	sld [smem:$0x3FFB];
	_ =	sdelay $0x3  }
0x92: {  	_ =	strace s18  }
0x93: {  	s2 =	sld [smem:$0x3FFC];
	_ =	sdelay $0x3  }
0x94: {  	_ =	strace s2  }
0x95: {  	s2 =	sld [smem:$0x3FFD];
	_ =	sdelay $0x3  }
0x96: {  	_ =	strace s2  }
0x97: {  	_ =	strace $0x8FFFFFFF  }
0x98: {  	s19 =	sld [smem:$0x3FDB];
	_ =	sdelay $0x1  }
0x99: {  	s20 =	simm.s32 $_scs_section_size  }
0x9a: {  	s4 =	simm.s32 $_size__tile_overlayer_lowered;
	s5 =	simm.s32 $_tile_overlayer_lowered  }
0x9b: {  	s6 =	simm.s32 $0x1BFF;
	s21 =	sshll.u32 s5, $0x1;
	s3 =	sadd.s32 s20, s19  }
0x9c: {  	s22 =	simm.s32 $0x0;
	s4 =	sshll.u32 s4, $0x1;
	s5 =	sadd.s32 s21, s3  }
0x9d: {  	[timem:s22], [sflag:s6] =	dma.local [hbm:s5], s4  }
0x9e: {  	_ =	swait.ge [sflag:s6], s4  }
0x9f: {  	s4 =	ssub.s32 $0x0, s4;
	[sflag:s6] =	ssyncset.done $0x0  }
0xa0: {  	[sflag:s6] =	ssyncadd.s32 s4;
	_ =	sdelay $0x1  }
0xa1: {  	s23 =	simm.s32 $0x1B8B  }
0xa2: {  	_ =	swait.ge [sflag:s23], $0x1  }
0xa3: {  	[sflag:s23] =	ssyncset.done $0x0  }
0xa4: {  	[sflag:s23] =	ssyncadd.s32 $0xFFFFFFFF  }
0xa5: {  	s4 =	sld [smem:$0x0]  }
0xa6: {  	s5 =	sand.u32 $0xFFFFFFFE, s1  }
0xa7: {  	p0 =	sne.s32 s1, s5  }
0xa8: {  	s5 =	sshll.u32 @p0 s5, $0xE  }
0xa9: {  	s5 =	sadd.s32 @p0 $0x11B8D, s5;
	s6 =	sshll.u32 @p0 s4, $0x11  }
0xaa: {  	s5 =	sor.u32 @p0 s6, s5  }
0xab: {  	[sflag:s5] =	ssyncadd.remote.s32 @p0 $0x1;
	_ =	sdelay $0x1  }
0xac: {  	s5 =	simm.s32 @p0 $0x1B8D  }
0xad: {  	_ =	swait.eq @p0 [sflag:s5], $0x1  }
0xae: {  	[sflag:s5] =	ssyncadd.s32 @p0 $0xFFFFFFFF  }
0xaf: {  	s6 =	sshll.u32 @!p0 s1, $0xE  }
0xb0: {  	s6 =	sor.u32 @!p0 $0x4000, s6;
	s5 =	simm.s32 @!p0 $0x1B8D  }
0xb1: {  	s4 =	sshll.u32 @!p0 s4, $0x11;
	s6 =	sadd.s32 @!p0 $0x11B8D, s6;
	_ =	swait.eq @!p0 [sflag:s5], $0x1  }
0xb2: {  	s4 =	sor.u32 @!p0 s4, s6;
	[sflag:s5] =	ssyncadd.s32 @!p0 $0xFFFFFFFF  }
0xb3: {  	s25 =	simm.s32 $0x1B8E;
	s24 =	sld [smem:$0x3FFE];
	[sflag:s4] =	ssyncadd.remote.s32 @!p0 $0x1  }
0xb4: {  	s26 =	simm.s32 $execute0_lowered;
	[smem:$0x3FD2] =	sst s25  }
0xb5: {  	s5 =	sshll.u32 s26, $0x1;
	_ =	strace $0x80000049;
	[dreg:$0x1] =	wrdreg $0xFFFFFFFF  }
0xb6: {  	s28 =	simm.s32 $_size_execute0_lowered;
	s3 =	sadd.s32 s3, s5;
	[dreg:$0x0] =	wrdreg $0x0  }
0xb7: {  	s5 =	sshll.u32 s28, $0x1;
	[dreg:$0x2] =	wrdreg s3  }
0xb8: {  	[dreg:$0x3] =	wrdreg s5  }
0xb9: {  	[dreg:$0x4] =	wrdreg $0xC0  }
0xba: {  	_ =	task [dreg:s22], $0x5FFFF  }
0xbb: {  	[dreg:$0x1] =	wrdreg $0xFFFFFFFF  }
0xbc: {  	[dreg:$0x0] =	wrdreg $0x60  }
0xbd: {  	[dreg:$0x2] =	wrdreg s24  }
0xbe: {  	[dreg:$0x3] =	wrdreg $0x9  }
0xbf: {  	_ =	task.clear_ibuf [dreg:s22], $0x4FFFF;
	_ =	strace $0x90000049  }
0xc0: {  	s29 =	simm.s32 $0x9;
	_ =	strace $0x8000004B  }
0xc1: {  	_ =	swait.ge [sflag:s29], $0x1  }
0xc2: {  	[sflag:s29] =	ssyncadd.s32 $0xFFFFFFFF  }
0xc3: {  	_ =	strace $0x9000004B  }
0xc4: {  	_ =	sfence  }
0xc5: {  	s30 =	sld [smem:$0x0];
	_ =	sdelay $0x2  }
0xc6: {  	s31 =	sshll.u32 s1, $0xD;
	s1 =	sshrl.u32 s1, $0x2  }
0xc7: {  	s4 =	sand.u32 $0x4000, s31;
	s1 =	sadd.s32 s1, s30  }
0xc8: {  	s0 =	sor.u32 s4, s0;
	s1 =	sshll.u32 s1, $0x11  }
0xc9: {  	s0 =	sor.u32 s1, s0  }
0xca: {  	s0 =	sadd.s32 $0x8F2B, s0  }
0xcb: {  	[sflag:s0] =	ssyncadd.remote.s32 $0x1  }
0xcc: {  	_ =	sfence.sel $0xFFFF  }
0xcd: {  	[dreg:$0x0] =	wrdreg $0xFFFFFFFF;
	(pc) =	sbr.abs _section_cstart, $3  }
0xce: {  	[dreg:$0x1] =	wrdreg $0xFFFFFFFF  }
0xcf: {  	_ =	task.clear_ibuf [dreg:s22], $0x2FFFF;
	_ =	strace $0x9FFFFFFF  }
0xd0: {  	(tm) =	ssettm $0x7FFFFFFF  }
0xd1: {  	_ =	shalt  }
tec
execute0_lowered:
.L_overlay_start_1:
0x0: {  	(tag) =	ssettag $0x1  }
0x1: {  	s4 =	rddreg [dreg:$0x0]  }
0x2: {  	s2 =	srdreg.scid;
	s0 =	rddreg [dreg:$0x1]  }
0x3: {  	s1 =	stileid.u32;
	s9 =	simm.s32 $0x1800;
	s10 =	simm.s32 $0x2000  }
0x4: {  	s11 =	simm.s32 $0x2800;
	s12 =	simm.s32 $0x3000;
	s13 =	simm.s32 $0x3800  }
0x5: {  	s14 =	simm.s32 $0x4000;
	s15 =	simm.s32 $0x4800;
	s16 =	simm.s32 $0x5000  }
0x6: {  	s17 =	simm.s32 $0x5800;
	s18 =	simm.s32 $0x6000;
	s19 =	simm.s32 $0x6800  }
0x7: {  	s20 =	simm.s32 $0x7000;
	s21 =	simm.s32 $0x7800;
	s22 =	simm.s32 $0x8000  }
0x8: {  	s23 =	simm.s32 $0x8800;
	s24 =	simm.s32 $0x1;
	s25 =	simm.s32 $0x0  }
0x9: {  	s5 =	sand.u32 $0x1, s2;
	s2 =	simm.s32 $0x0;
	s3 =	sshll.u32 s1, $0xA  }
0xa: {  	s7 =	sshll.u32 s1, $0x12;
	s6 =	sshll.u32 s5, $0x9;
	[smem:$0x7FF] =	sst s2  }
0xb: {  	s8 =	ssub.s32 $0x2, s5;
	s7 =	sadd.s32 s7, s4;
	s5 =	sshll.u32 s5, $0x11  }
0xc: {  	s3 =	sor.u32 s6, s3;
	_ =	strace $0x8000004A;
	s30 =	sshrl.u32 s8, $0x1  }
0xd: {  	v2 =	vlaneseq.u32;
	s31 =	sadd.s32 s5, s7;
	s7 =	simm.s32 $0x2;
	s6 =	sadd.s32 s3, s4  }
0xe: {  	vm0 =	vmmov $0xffff;
	v1 =	vshrl.u32 v2, $0x3;
	s3 =	sadd.s32 $0x6BE00, s4;
	s8 =	ssub.s32 s8, s30;
	s4 =	sadd.s32 $0x67E00, s6  }
0xf: {  	v0 =	vand.u32 $0x7, v2;
	v2 =	vor.u32 $0x8, v2;
	v1 =	vmul.u32 $0x8, v1;
	s5 =	smax.u32 s8, $0x1;
	s6 =	sadd.s32 $0x156400, s31;
	s8 =	simm.s32 $0x1000  }
.LBB2_1:
0x10: {  	[tilespmem:s2], [sflag:$0x2] =	stream.linear.gather [hbm4b:s4+s2], $0x1000, $0x38;
	[tilespmem:$0x9000] =	vst v63  }
0x11: {  	_ =	swait.ge [sflag:s7], $0x1000  }
0x12: {  	[sflag:s7] =	ssyncset.done $0x0  }
0x13: {  	s26 =	simm.s32 $0x40;
	s28 =	simm.s32 $0x0;
	[sflag:s7] =	ssyncadd.s32 $0xFFFFF000  }
.LBB2_2:
0x14: {  	v3 =	vld [tilespmem:s26+$0xFFFFFFC0];
	_ =	sdelay $0x4  }
0x15: {  	v4 =	vshll.u32 v3, $0x1  }
0x16: {  	v3 =	vand.u32 $0x7, v3;
	v4 =	vand.u32 $0xFFFFFFF0, v4  }
0x17: {  	v3 =	vor.u32 v3, v4  }
0x18: {  	v4 =	vperm.xlane v3, v0;
	_ =	sdelay $0x1  }
0x19: {  	v3 =	vperm.xlane v3, v2;
	v4 =	vadd.s32 v1, v4;
	_ =	sdelay $0x1  }
0x1a: {  	v3 =	vadd.s32 v1, v3;
	_ =	sdelay $0x2  }
0x1b: {  	[tilespmem:s8], [sflag:$0x1] =	stream.indirect_vreg.gather [hbm4b:s3+s2], $0x80, v4, vm0, $0xb8;
	[tilespmem:$0x9000] =	vst v63  }
0x1c: {  	_ = 	snop  }
0x1d: {  	[tilespmem:s9], [sflag:$0x1] =	stream.indirect_vreg.gather [hbm4b:s3+s2], $0x80, v3, vm0, $0xb8;
	[tilespmem:$0x9000] =	vst v63  }
0x1e: {  	v3 =	vld [tilespmem:s26+$0xFFFFFFD0];
	_ =	sdelay $0x4  }
0x1f: {  	v57 =	vshll.u32 v3, $0x1  }
0x20: {  	v3 =	vand.u32 $0x7, v3;
	v4 =	vand.u32 $0xFFFFFFF0, v57  }
0x21: {  	v3 =	vor.u32 v3, v4  }
0x22: {  	v4 =	vperm.xlane v3, v0;
	_ =	sdelay $0x1  }
0x23: {  	v3 =	vperm.xlane v3, v2;
	v4 =	vadd.s32 v1, v4;
	_ =	sdelay $0x1  }
0x24: {  	v3 =	vadd.s32 v1, v3;
	_ =	sdelay $0x2  }
0x25: {  	[tilespmem:s10], [sflag:$0x1] =	stream.indirect_vreg.gather [hbm4b:s3+s2], $0x80, v4, vm0, $0xb8;
	[tilespmem:$0x9000] =	vst v63  }
0x26: {  	_ = 	snop  }
0x27: {  	[tilespmem:s11], [sflag:$0x1] =	stream.indirect_vreg.gather [hbm4b:s3+s2], $0x80, v3, vm0, $0xb8;
	[tilespmem:$0x9000] =	vst v63  }
0x28: {  	v3 =	vld [tilespmem:s26+$0xFFFFFFE0];
	_ =	sdelay $0x4  }
0x29: {  	v58 =	vshll.u32 v3, $0x1  }
0x2a: {  	v3 =	vand.u32 $0x7, v3;
	v4 =	vand.u32 $0xFFFFFFF0, v58  }
0x2b: {  	v3 =	vor.u32 v3, v4  }
0x2c: {  	v4 =	vperm.xlane v3, v0;
	_ =	sdelay $0x1  }
0x2d: {  	v3 =	vperm.xlane v3, v2;
	v4 =	vadd.s32 v1, v4;
	_ =	sdelay $0x1  }
0x2e: {  	v3 =	vadd.s32 v1, v3;
	_ =	sdelay $0x2  }
0x2f: {  	[tilespmem:s12], [sflag:$0x1] =	stream.indirect_vreg.gather [hbm4b:s3+s2], $0x80, v4, vm0, $0xb8;
	[tilespmem:$0x9000] =	vst v63  }
0x30: {  	_ = 	snop  }
0x31: {  	[tilespmem:s13], [sflag:$0x1] =	stream.indirect_vreg.gather [hbm4b:s3+s2], $0x80, v3, vm0, $0xb8;
	[tilespmem:$0x9000] =	vst v63  }
0x32: {  	v3 =	vld [tilespmem:s26+$0xFFFFFFF0];
	_ =	sdelay $0x4  }
0x33: {  	v59 =	vshll.u32 v3, $0x1  }
0x34: {  	v3 =	vand.u32 $0x7, v3;
	v4 =	vand.u32 $0xFFFFFFF0, v59  }
0x35: {  	v3 =	vor.u32 v3, v4  }
0x36: {  	v4 =	vperm.xlane v3, v0;
	_ =	sdelay $0x1  }
0x37: {  	v3 =	vperm.xlane v3, v2;
	v4 =	vadd.s32 v1, v4;
	_ =	sdelay $0x1  }
0x38: {  	v3 =	vadd.s32 v1, v3;
	_ =	sdelay $0x2  }
0x39: {  	[tilespmem:s14], [sflag:$0x1] =	stream.indirect_vreg.gather [hbm4b:s3+s2], $0x80, v4, vm0, $0xb8;
	[tilespmem:$0x9000] =	vst v63  }
0x3a: {  	_ = 	snop  }
0x3b: {  	[tilespmem:s15], [sflag:$0x1] =	stream.indirect_vreg.gather [hbm4b:s3+s2], $0x80, v3, vm0, $0xb8;
	[tilespmem:$0x9000] =	vst v63  }
0x3c: {  	v3 =	vld [tilespmem:s26+$0x0];
	_ =	sdelay $0x4  }
0x3d: {  	v60 =	vshll.u32 v3, $0x1  }
0x3e: {  	v3 =	vand.u32 $0x7, v3;
	v4 =	vand.u32 $0xFFFFFFF0, v60  }
0x3f: {  	v3 =	vor.u32 v3, v4  }
0x40: {  	v4 =	vperm.xlane v3, v0;
	_ =	sdelay $0x1  }
0x41: {  	v3 =	vperm.xlane v3, v2;
	v4 =	vadd.s32 v1, v4;
	_ =	sdelay $0x1  }
0x42: {  	v3 =	vadd.s32 v1, v3;
	_ =	sdelay $0x2  }
0x43: {  	[tilespmem:s16], [sflag:$0x1] =	stream.indirect_vreg.gather [hbm4b:s3+s2], $0x80, v4, vm0, $0xb8;
	[tilespmem:$0x9000] =	vst v63  }
0x44: {  	_ = 	snop  }
0x45: {  	[tilespmem:s17], [sflag:$0x1] =	stream.indirect_vreg.gather [hbm4b:s3+s2], $0x80, v3, vm0, $0xb8;
	[tilespmem:$0x9000] =	vst v63  }
0x46: {  	v3 =	vld [tilespmem:s26+$0x10];
	_ =	sdelay $0x4  }
0x47: {  	v61 =	vshll.u32 v3, $0x1  }
0x48: {  	v3 =	vand.u32 $0x7, v3;
	v4 =	vand.u32 $0xFFFFFFF0, v61  }
0x49: {  	v3 =	vor.u32 v3, v4  }
0x4a: {  	v4 =	vperm.xlane v3, v0;
	_ =	sdelay $0x1  }
0x4b: {  	v3 =	vperm.xlane v3, v2;
	v4 =	vadd.s32 v1, v4;
	_ =	sdelay $0x1  }
0x4c: {  	v3 =	vadd.s32 v1, v3;
	_ =	sdelay $0x2  }
0x4d: {  	[tilespmem:s18], [sflag:$0x1] =	stream.indirect_vreg.gather [hbm4b:s3+s2], $0x80, v4, vm0, $0xb8;
	[tilespmem:$0x9000] =	vst v63  }
0x4e: {  	_ = 	snop  }
0x4f: {  	[tilespmem:s19], [sflag:$0x1] =	stream.indirect_vreg.gather [hbm4b:s3+s2], $0x80, v3, vm0, $0xb8;
	[tilespmem:$0x9000] =	vst v63  }
0x50: {  	v3 =	vld [tilespmem:s26+$0x20];
	_ =	sdelay $0x4  }
0x51: {  	v62 =	vshll.u32 v3, $0x1  }
0x52: {  	v3 =	vand.u32 $0x7, v3;
	v4 =	vand.u32 $0xFFFFFFF0, v62  }
0x53: {  	v3 =	vor.u32 v3, v4  }
0x54: {  	v4 =	vperm.xlane v3, v0;
	_ =	sdelay $0x1  }
0x55: {  	v3 =	vperm.xlane v3, v2;
	v4 =	vadd.s32 v1, v4;
	_ =	sdelay $0x1  }
0x56: {  	v3 =	vadd.s32 v1, v3;
	_ =	sdelay $0x2  }
0x57: {  	[tilespmem:s20], [sflag:$0x1] =	stream.indirect_vreg.gather [hbm4b:s3+s2], $0x80, v4, vm0, $0xb8;
	[tilespmem:$0x9000] =	vst v63  }
0x58: {  	_ = 	snop  }
0x59: {  	[tilespmem:s21], [sflag:$0x1] =	stream.indirect_vreg.gather [hbm4b:s3+s2], $0x80, v3, vm0, $0xb8;
	[tilespmem:$0x9000] =	vst v63  }
0x5a: {  	v3 =	vld [tilespmem:s26+$0x30];
	_ =	sdelay $0x4  }
0x5b: {  	v63 =	vshll.u32 v3, $0x1  }
0x5c: {  	v3 =	vand.u32 $0x7, v3;
	v4 =	vand.u32 $0xFFFFFFF0, v63  }
0x5d: {  	v3 =	vor.u32 v3, v4  }
0x5e: {  	v4 =	vperm.xlane v3, v0;
	_ =	sdelay $0x1  }
0x5f: {  	v3 =	vperm.xlane v3, v2;
	v4 =	vadd.s32 v1, v4;
	_ =	sdelay $0x1  }
0x60: {  	v3 =	vadd.s32 v1, v3;
	_ =	sdelay $0x2  }
0x61: {  	[tilespmem:s22], [sflag:$0x1] =	stream.indirect_vreg.gather [hbm4b:s3+s2], $0x80, v4, vm0, $0xb8;
	[tilespmem:$0x9000] =	vst v63  }
0x62: {  	_ = 	snop  }
0x63: {  	[tilespmem:s23], [sflag:$0x1] =	stream.indirect_vreg.gather [hbm4b:s3+s2], $0x80, v3, vm0, $0xb8;
	[tilespmem:$0x9000] =	vst v63  }
0x64: {  	_ =	swait.ge [sflag:s24], $0x8000  }
0x65: {  	p0 =	sne.s32 s28, $0x1F000;
	[sflag:s24] =	ssyncset.done $0x0  }
.Ltmp0:
0x66: {  	s29 =	sadd.s32 s28, s6;
	[sflag:s24] =	ssyncadd.s32 $0xFFFF8000;
	(pc) =	sbr.rel @p0 .LBB2_2-.Ltmp0, $4  }
0x67: {  	[hbm4b:s29+s2] =	stream.linear.scatter [tilespmem:s8], [sflag:$0x2], $0x8000, $0x38;
	[tilespmem:$0x9000] =	vst v63  }
0x68: {  	_ =	swait.ge [sflag:s7], $0x8000  }
0x69: {  	[sflag:s7] =	ssyncset.done $0x0  }
0x6a: {  	s28 =	sadd.s32 $0x1000, s28;
	s26 =	sadd.s32 $0x80, s26;
	[sflag:s7] =	ssyncadd.s32 $0xFFFF8000  }
0x6b: {  	s25 =	sadd.s32 $0x1, s25  }
0x6c: {  	p0 =	sne.s32 s25, s5  }
.Ltmp1:
0x6d: {  	_ = 	snop;
	(pc) =	sbr.rel @p0 .LBB2_1-.Ltmp1, $1  }
0x6e: {  	_ =	sdelay $0x3  }
0x6f: {  	_ =	sfence.sel $0x180000  }
0x70: {  	[bflag:$0x0] =	sbarrier.arrive $0xFFFF  }
0x71: {  	p0 =	sne.s32 s1, $0x0;
	_ =	strace $0x9000004A  }
0x72: {  	s0 =	sadd.s32 @!p0 $0x100000, s0;
	[bflag:$0x2] =	sbarrier.arrive $0xFFFF  }
0x73: {  	[sflag:s0] =	ssyncadd.tile.s32 @!p0 $0x1;
	_ =	shalt  }
.Lfunc_end2:
_tile_overlayer_lowered:
.L_overlay_start_2:
0x74: {  	(tag) =	ssettag $0x2  }
0x75: {  	s0 =	rddreg [dreg:$0x0];
	s2 =	stileid.u32  }
0x76: {  	s1 =	rddreg [dreg:$0x1];
	p0 =	sne.s32 s2, $0x0  }
0x77: {  	s3 =	rddreg [dreg:$0x2];
	[bflag:$0x3] =	sbarrier.arrive $0xFFFF;
	s2 =	simm.s32 @!p0 $0x1C02  }
0x78: {  	[timem:s3], [sflag:s2] =	dma.local @!p0 [hbm:s0], s1  }
0x79: {  	s0 =	simm.s32 @!p0 $0x2  }
0x7a: {  	_ =	swait.ge @!p0 [sflag:s0], s1  }
0x7b: {  	s1 =	ssub.s32 @!p0 $0x0, s1;
	[sflag:s0] =	ssyncset.done @!p0 $0x0  }
0x7c: {  	[sflag:s0] =	ssyncadd.s32 @!p0 s1  }
0x7d: {  	[bflag:$0x3] =	sbarrier.arrive $0xFFFF  }
0x7e: {  	_ =	shalt  }

// kernel: kernel.13.cloned.1.call-start
scs
__scs_entry_jumppad:
0x0: {  	(pc) =	sbr.rel $0x88, $3  }
0x1: {  	(tag) =	ssettag $0x0;
	lr =	simm.s32 $0x1  }
0x2: {  	[smem:$0x3F91] =	sst lr;
	_ =	strace $0xD0000000  }
0x3: {  	_ = 	snop  }
0x4: {  	_ = 	snop  }
0x5: {  	_ = 	snop  }
0x6: {  	_ = 	snop  }
0x7: {  	_ = 	snop  }
__scs_overlays_trampoline_lowered:
0x8: {  	[smem:$0x3FA0] =	sst s0  }
0x9: {  	[smem:$0x3FA1] =	sst s1  }
0xa: {  	[smem:$0x3FA2] =	sst s2  }
0xb: {  	[smem:$0x3FA3] =	sst s3  }
0xc: {  	[smem:$0x3FA4] =	sst s4  }
0xd: {  	[smem:$0x3FA5] =	sst s5  }
0xe: {  	[smem:$0x3FA6] =	sst s6  }
0xf: {  	[smem:$0x3FA7] =	sst s7  }
0x10: {  	[smem:$0x3FA8] =	sst s8  }
0x11: {  	[smem:$0x3FA9] =	sst s9;
	s0 =	simm.s32 @!p0 $0x0  }
0x12: {  	s1 =	sld [smem:$0x3F8F];
	s0 =	simm.s32 @p0 $0x1  }
0x13: {  	[smem:$0x3FAA] =	sst s0;
	s0 =	simm.s32 @!p1 $0x0  }
0x14: {  	s2 =	sld [smem:$0x3F8E];
	s0 =	simm.s32 @p1 $0x1  }
0x15: {  	[smem:$0x3FAB] =	sst s0;
	s0 =	simm.s32 @!p2 $0x0  }
0x16: {  	s3 =	sld [smem:$0x3FDB];
	s0 =	simm.s32 @p2 $0x1  }
0x17: {  	s4 =	simm.s32 $0x1BF5;
	[smem:$0x3FAD] =	sst s0  }
0x18: {  	s0 =	sld [smem:$0x3F90];
	_ =	swait.ge [sflag:s4], $0x0  }
0x19: {  	s7 =	sld [smem:$0x3F91]  }
0x1a: {  	s8 =	sadd.s32 $0xFFFFE003, lr  }
0x1b: {  	s9 =	sadd.s32 $0xFFFFFEF7, lr;
	s5 =	simm.s32 $0xFFFFFFFF;
	p2 =	slt.u32 s8, $0xFFFFF086  }
0x1c: {  	p1 =	slt.u32 s9, $0xF7A;
	s5 =	simm.s32 @!p2 $0x0  }
0x1d: {  	s5 =	simm.s32 @p1 $0x1;
	p0 =	seq.s32 s7, s2  }
0x1e: {  	s7 =	smul.u32 @!p0 $0xF7A, s2;
	p2 =	seq.s32 @!p0 s5, $0x0  }
0x1f: {  	s9 =	smul.u32 $0xF7A, s1;
	s8 =	simm.s32 @!p0 $0x1BF5;
	p2 =	por !p2, p0  }
0x20: {  	[sflag:s8] =	ssyncset.s32 @!p0 $0xFFFFF086;
	s6 =	sadd.s32 @!p0 s3, s7;
	s7 =	simm.s32 @!p0 $0x108  }
0x21: {  	s3 =	sadd.s32 s3, s9;
	s6 =	sadd.s32 @!p0 $0x88, s6;
	s7 =	simm.s32 @p2 $0x1082  }
0x22: {  	[simem:s7], [sflag:s8] =	dma.local @!p0 [hbm:s6], $0xF7A  }
0x23: {  	s9 =	sor.u32 $0xD0000000, s2;
	s6 =	simm.s32 $0x108;
	_ =	swait.ge @!p0 [sflag:s8], $0x0  }
0x24: {  	s3 =	sadd.s32 $0x88, s3;
	s6 =	simm.s32 @!p1 $0x1082;
	[sflag:s4] =	ssyncset.s32 $0xFFFFF086  }
0x25: {  	[simem:s6], [sflag:s4] =	dma.local [hbm:s3], $0xF7A  }
0x26: {  	[smem:$0x3F91] =	sst s1;
	(tag) =	ssettag s2;
	_ =	strace s9  }
0x27: {  	s1 =	sld [smem:$0x3FA1]  }
0x28: {  	s2 =	sld [smem:$0x3FA2]  }
0x29: {  	s4 =	sld [smem:$0x3FA4]  }
0x2a: {  	p0 =	seq.s32 s5, $0x0;
	s5 =	sld [smem:$0x3FA5]  }
0x2b: {  	s6 =	sld [smem:$0x3FA6]  }
0x2c: {  	s7 =	sld [smem:$0x3FA7]  }
0x2d: {  	s3 =	simm.s32 $0x108;
	s8 =	sld [smem:$0x3FA8]  }
0x2e: {  	s3 =	simm.s32 @!p0 $0x1082;
	s9 =	sld [smem:$0x3FA9]  }
0x2f: {  	lr =	sadd.s32 s0, s3;
	s0 =	sld [smem:$0x3FA0]  }
0x30: {  	s3 =	sld [smem:$0x3FA3]  }
0x31: {  	[smem:$0x3FAC] =	sst s10  }
0x32: {  	s10 =	sld [smem:$0x3FAA];
	_ =	sdelay $0x3  }
0x33: {  	p0 =	seq.s32 s10, $0x1;
	s10 =	sld [smem:$0x3FAC];
	_ =	sdelay $0x3  }
0x34: {  	[smem:$0x3FAC] =	sst s10  }
0x35: {  	s10 =	sld [smem:$0x3FAB];
	_ =	sdelay $0x3  }
0x36: {  	p1 =	seq.s32 s10, $0x1;
	s10 =	sld [smem:$0x3FAC];
	_ =	sdelay $0x3  }
0x37: {  	[smem:$0x3FAC] =	sst s10  }
0x38: {  	s10 =	sld [smem:$0x3FAD]  }
0x39: {  	_ = 	snop;
	(pc) =	sbr.ind lr, $3  }
0x3a: {  	_ = 	snop  }
0x3b: {  	_ = 	snop  }
0x3c: {  	p2 =	seq.s32 s10, $0x1;
	s10 =	sld [smem:$0x3FAC]  }
0x3d: {  	_ =	shalt  }
0x3e: {  	_ =	shalt  }
0x3f: {  	_ =	shalt  }
0x40: {  	_ =	shalt  }
0x41: {  	_ =	shalt  }
0x42: {  	_ =	shalt  }
0x43: {  	_ =	shalt  }
0x44: {  	_ =	shalt  }
0x45: {  	_ =	shalt  }
0x46: {  	_ =	shalt  }
0x47: {  	_ =	shalt  }
0x48: {  	_ =	shalt  }
0x49: {  	_ =	shalt  }
0x4a: {  	_ =	shalt  }
0x4b: {  	_ =	shalt  }
0x4c: {  	_ =	shalt  }
0x4d: {  	_ =	shalt  }
0x4e: {  	_ =	shalt  }
0x4f: {  	_ =	shalt  }
0x50: {  	_ =	shalt  }
0x51: {  	_ =	shalt  }
0x52: {  	_ =	shalt  }
0x53: {  	_ =	shalt  }
0x54: {  	_ =	shalt  }
0x55: {  	_ =	shalt  }
0x56: {  	_ =	shalt  }
0x57: {  	_ =	shalt  }
0x58: {  	_ =	shalt  }
0x59: {  	_ =	shalt  }
0x5a: {  	_ =	shalt  }
0x5b: {  	_ =	shalt  }
0x5c: {  	_ =	shalt  }
0x5d: {  	_ =	shalt  }
0x5e: {  	_ =	shalt  }
0x5f: {  	_ =	shalt  }
0x60: {  	_ =	shalt  }
0x61: {  	_ =	shalt  }
0x62: {  	_ =	shalt  }
0x63: {  	_ =	shalt  }
0x64: {  	_ =	shalt  }
0x65: {  	_ =	shalt  }
0x66: {  	_ =	shalt  }
0x67: {  	_ =	shalt  }
0x68: {  	_ =	shalt  }
0x69: {  	_ =	shalt  }
0x6a: {  	_ =	shalt  }
0x6b: {  	_ =	shalt  }
0x6c: {  	_ =	shalt  }
0x6d: {  	_ =	shalt  }
0x6e: {  	_ =	shalt  }
0x6f: {  	_ =	shalt  }
0x70: {  	_ =	shalt  }
0x71: {  	_ =	shalt  }
0x72: {  	_ =	shalt  }
0x73: {  	_ =	shalt  }
0x74: {  	_ =	shalt  }
0x75: {  	_ =	shalt  }
0x76: {  	_ =	shalt  }
0x77: {  	_ =	shalt  }
0x78: {  	_ =	shalt  }
0x79: {  	_ =	shalt  }
0x7a: {  	_ =	shalt  }
0x7b: {  	_ =	shalt  }
0x7c: {  	_ =	shalt  }
0x7d: {  	_ =	shalt  }
0x7e: {  	_ =	shalt  }
0x7f: {  	_ =	shalt  }
0x80: {  	_ =	shalt  }
0x81: {  	_ =	shalt  }
0x82: {  	_ =	shalt  }
0x83: {  	_ =	shalt  }
0x84: {  	_ =	shalt  }
0x85: {  	_ =	shalt  }
0x86: {  	_ =	shalt  }
0x87: {  	_ =	shalt  }
.Lfunc_end0:
.L_simem_size_0:
called_computation.1_lowered:
.L_overlay_start_0:
0x88: {  	s2 =	sld [smem:$0x3FD9]  }
0x89: {  	s3 =	sld [smem:$0x3FFE];
	_ =	sdelay $0x1  }
0x8a: {  	s1 =	srdreg.scid  }
0x8b: {  	s0 =	sand.u32 $0x1, s1  }
0x8c: {  	s17 =	sshll.u32 s0, $0xA;
	s2 =	sadd.s32 s3, s2  }
0x8d: {  	s2 =	sadd.s32 s2, s17  }
0x8e: {  	[smem:$0x3FB8] =	sst s2  }
0x8f: {  	_ = 	snop  }
0x90: {  	s2 =	sld [smem:$0x3FC7];
	(tm) =	ssettm $0x1  }
0x91: {  	s18 =	sld [smem:$0x3FFB];
	_ =	sdelay $0x3  }
0x92: {  	_ =	strace s18  }
0x93: {  	s3 =	sld [smem:$0x3FFC];
	_ =	sdelay $0x3  }
0x94: {  	_ =	strace s3  }
0x95: {  	s3 =	sld [smem:$0x3FFD];
	_ =	sdelay $0x3  }
0x96: {  	_ =	strace s3  }
0x97: {  	_ =	strace $0x8FFFFFFF  }
0x98: {  	s19 =	sld [smem:$0x3FDB];
	_ =	sdelay $0x1  }
0x99: {  	s4 =	simm.s32 $_scs_section_size  }
0x9a: {  	s5 =	simm.s32 $_size__tile_overlayer_lowered;
	s6 =	simm.s32 $_tile_overlayer_lowered  }
0x9b: {  	s22 =	simm.s32 $0x1BFF;
	s21 =	sshll.u32 s6, $0x1;
	s3 =	sadd.s32 s4, s19  }
0x9c: {  	s7 =	simm.s32 $0x0;
	s20 =	sshll.u32 s5, $0x1;
	s5 =	sadd.s32 s21, s3  }
0x9d: {  	[timem:s7], [sflag:s22] =	dma.local [hbm:s5], s20  }
0x9e: {  	_ =	swait.ge [sflag:s22], s20  }
0x9f: {  	s4 =	ssub.s32 $0x0, s20;
	[sflag:s22] =	ssyncset.done $0x0  }
0xa0: {  	[sflag:s22] =	ssyncadd.s32 s4;
	_ =	sdelay $0x1  }
0xa1: {  	s23 =	simm.s32 $0x1B8B  }
0xa2: {  	_ =	swait.ge [sflag:s23], $0x1  }
0xa3: {  	[sflag:s23] =	ssyncset.done $0x0  }
0xa4: {  	s25 =	simm.s32 $0x1B8E;
	s24 =	sld [smem:$0x3FFE];
	[sflag:s23] =	ssyncadd.s32 $0xFFFFFFFF  }
0xa5: {  	s26 =	simm.s32 $execute0_lowered;
	[smem:$0x3FD2] =	sst s25  }
0xa6: {  	s5 =	sshll.u32 s26, $0x1;
	_ =	strace $0x80000046;
	[dreg:$0x1] =	wrdreg $0xFFFFFFFF  }
0xa7: {  	s28 =	simm.s32 $_size_execute0_lowered;
	s3 =	sadd.s32 s3, s5;
	[dreg:$0x0] =	wrdreg $0x0  }
0xa8: {  	s5 =	sshll.u32 s28, $0x1;
	[dreg:$0x2] =	wrdreg s3  }
0xa9: {  	[dreg:$0x3] =	wrdreg s5  }
0xaa: {  	[dreg:$0x4] =	wrdreg $0xC0  }
0xab: {  	_ =	task [dreg:s7], $0x5FFFF  }
0xac: {  	[dreg:$0x1] =	wrdreg $0xFFFFFFFF  }
0xad: {  	[dreg:$0x0] =	wrdreg $0x60  }
0xae: {  	[dreg:$0x2] =	wrdreg s24  }
0xaf: {  	[dreg:$0x3] =	wrdreg s2  }
0xb0: {  	[dreg:$0x4] =	wrdreg $0x90000  }
0xb1: {  	[dreg:$0x5] =	wrdreg $0xA  }
0xb2: {  	_ =	task.clear_ibuf [dreg:s7], $0x6FFFF;
	_ =	strace $0x90000046  }
0xb3: {  	s29 =	simm.s32 $0xA;
	_ =	strace $0x80000048  }
0xb4: {  	_ =	swait.ge [sflag:s29], $0x1  }
0xb5: {  	[sflag:s29] =	ssyncadd.s32 $0xFFFFFFFF  }
0xb6: {  	_ =	strace $0x90000048  }
0xb7: {  	_ =	sfence  }
0xb8: {  	s30 =	sld [smem:$0x0];
	_ =	sdelay $0x2  }
0xb9: {  	s31 =	sshll.u32 s1, $0xD;
	s1 =	sshrl.u32 s1, $0x2  }
0xba: {  	s3 =	sand.u32 $0x4000, s31;
	s1 =	sadd.s32 s1, s30  }
0xbb: {  	s0 =	sor.u32 s3, s0;
	s1 =	sshll.u32 s1, $0x11  }
0xbc: {  	s0 =	sor.u32 s1, s0  }
0xbd: {  	s0 =	sadd.s32 $0x8F2B, s0  }
0xbe: {  	[sflag:s0] =	ssyncadd.remote.s32 $0x1  }
0xbf: {  	_ =	sfence.sel $0xFFFF  }
0xc0: {  	[dreg:$0x0] =	wrdreg $0xFFFFFFFF;
	(pc) =	sbr.abs _section_cstart, $3  }
0xc1: {  	[dreg:$0x1] =	wrdreg $0xFFFFFFFF  }
0xc2: {  	_ =	task.clear_ibuf [dreg:s7], $0x2FFFF;
	_ =	strace $0x9FFFFFFF  }
0xc3: {  	(tm) =	ssettm $0x7FFFFFFF  }
tec
execute0_lowered:
.L_overlay_start_1:
0x0: {  	(tag) =	ssettag $0x1  }
0x1: {  	s6 =	rddreg [dreg:$0x0]  }
0x2: {  	s1 =	srdreg.scid;
	s2 =	rddreg [dreg:$0x1]  }
0x3: {  	s0 =	stileid.u32;
	s3 =	rddreg [dreg:$0x2]  }
0x4: {  	s4 =	simm.s32 $0x0;
	s18 =	simm.s32 $0x80;
	s19 =	simm.s32 $0x5000  }
0x5: {  	s20 =	simm.s32 $0x1;
	s21 =	simm.s32 $0x0;
	s7 =	sand.u32 $0x1, s1  }
0x6: {  	s30 =	sshll.u32 s0, $0x1;
	[smem:$0x7FF] =	sst s4;
	s9 =	smul.u32 $0x14000, s0  }
0x7: {  	s11 =	smul.u32 $0x50000, s0;
	s12 =	sshll.u32 s0, $0x6;
	s1 =	sor.u32 s7, s30  }
0x8: {  	s8 =	smul.u32 $0x140000, s7;
	s7 =	ssub.s32 $0x2, s7;
	s12 =	sor.u32 $0x1C02, s12  }
0x9: {  	s5 =	smul.u32 $0x500, s1;
	s1 =	rddreg [dreg:$0x3];
	_ =	strace $0x80000047  }
0xa: {  	s31 =	sshrl.u32 s7, $0x1;
	s11 =	sshrl.u32 s11, $0x2;
	s8 =	sadd.s32 s9, s8  }
0xb: {  	s9 =	ssub.s32 s7, s31;
	s13 =	sadd.s32 s11, s3;
	s11 =	simm.s32 $0x2800  }
0xc: {  	s10 =	sadd.s32 s5, s6;
	s5 =	sadd.s32 $0x17600, s6;
	s8 =	sshrl.u32 s8, $0x3  }
0xd: {  	s14 =	sadd.s32 $0x4000, s13;
	s15 =	sadd.s32 $0x8000, s13;
	s16 =	sadd.s32 $0xC000, s13  }
0xe: {  	s17 =	sadd.s32 $0x10000, s13;
	s9 =	smax.u32 s9, $0x1;
	s13 =	sshrl.u32 s13, $0x3  }
0xf: {  	s8 =	sadd.s32 s8, s6;
	s6 =	sadd.s32 $0xD600, s10;
	s7 =	sadd.s32 $0x3600, s10  }
0x10: {  	s10 =	simm.s32 $0x2;
	s14 =	sshrl.u32 s14, $0x3;
	s15 =	sshrl.u32 s15, $0x3  }
0x11: {  	s16 =	sshrl.u32 s16, $0x3;
	s17 =	sshrl.u32 s17, $0x3;
	s8 =	sadd.s32 $0x17E00, s8  }
.LBB2_1:
0x12: {  	[tilespmem:s4], [sflag:$0x2] =	stream.linear.gather [hbm4b:s6+s4], $0x2800, $0x38;
	[tilespmem:$0x1D000] =	vst v63  }
0x13: {  	_ =	swait.ge [sflag:s10], $0x2800  }
0x14: {  	[sflag:s10] =	ssyncset.done $0x0  }
0x15: {  	[sflag:s10] =	ssyncadd.s32 $0xFFFFD800  }
0x16: {  	[tilespmem:s11], [sflag:$0x2] =	stream.linear.gather [hbm4b:s7+s4], $0x2800, $0x38;
	[tilespmem:$0x1D000] =	vst v63  }
0x17: {  	_ =	swait.ge [sflag:s10], $0x2800  }
0x18: {  	[sflag:s10] =	ssyncset.done $0x0  }
0x19: {  	[sflag:s10] =	ssyncadd.s32 $0xFFFFD800  }
0x1a: {  	[spmem:s13], [sflag:s12] =	dma.local [hbm:s5], $0x800  }
0x1b: {  	_ =	swait.ge [sflag:s10], $0x800  }
0x1c: {  	[sflag:s10] =	ssyncset.done $0x0  }
0x1d: {  	[sflag:s10] =	ssyncadd.s32 $0xFFFFF800  }
0x1e: {  	[spmem:s14], [sflag:s12] =	dma.local [hbm:s5], $0x800  }
0x1f: {  	_ =	swait.ge [sflag:s10], $0x800  }
0x20: {  	[sflag:s10] =	ssyncset.done $0x0  }
0x21: {  	[sflag:s10] =	ssyncadd.s32 $0xFFFFF800  }
0x22: {  	[spmem:s15], [sflag:s12] =	dma.local [hbm:s5], $0x800  }
0x23: {  	_ =	swait.ge [sflag:s10], $0x800  }
0x24: {  	[sflag:s10] =	ssyncset.done $0x0  }
0x25: {  	[sflag:s10] =	ssyncadd.s32 $0xFFFFF800  }
0x26: {  	[spmem:s16], [sflag:s12] =	dma.local [hbm:s5], $0x800  }
0x27: {  	_ =	swait.ge [sflag:s10], $0x800  }
0x28: {  	[sflag:s10] =	ssyncset.done $0x0  }
0x29: {  	[sflag:s10] =	ssyncadd.s32 $0xFFFFF800  }
0x2a: {  	[spmem:s17], [sflag:s12] =	dma.local [hbm:s5], $0x800  }
0x2b: {  	_ =	swait.ge [sflag:s10], $0x800  }
0x2c: {  	[sflag:s10] =	ssyncset.done $0x0  }
0x2d: {  	[sflag:s10] =	ssyncadd.s32 $0xFFFFF800  }
0x2e: {  	s22 =	simm.s32 $0x0;
	[bflag:$0x0] =	sbarrier.arrive $0xFFFF  }
0x2f: {  	[tilespmem:s19], [sflag:$0x1] =	stream.indirect.gather [hbm4b:s2+s18], $0x80, s22, s18, $0xb8;
	[tilespmem:$0x1D000] =	vst v63  }
0x30: {  	_ =	swait.ge [sflag:s20], $0x4000  }
0x31: {  	[sflag:s20] =	ssyncset.done $0x0  }
0x32: {  	s31 =	simm.s32 $0x2800;
	[sflag:s20] =	ssyncadd.s32 $0xFFFFC000  }
0x33: {  	[spmem:s3] =	stream.indirect.scatter.add.f32 [tilespmem:s19], [sflag:$0x2], $0x80, s31, s18, $0xb8;
	[tilespmem:$0x1D000] =	vst v63  }
0x34: {  	_ =	swait.ge [sflag:s10], $0x4000  }
0x35: {  	s23 =	simm.s32 $0x400;
	s22 =	simm.s32 $0x200;
	[sflag:s10] =	ssyncset.done $0x0  }
.LBB2_2:
0x36: {  	s24 =	sshra.s32 s22, $0x2  }
0x37: {  	[sflag:s10] =	ssyncadd.s32 $0xFFFFC000;
	s22 =	smov.u32 s23;
	s25 =	sadd.s32 $0x200, s23  }
0x38: {  	[tilespmem:s19], [sflag:$0x1] =	stream.indirect.gather [hbm4b:s2+s18], $0x80, s24, s18, $0xb8;
	[tilespmem:$0x1D000] =	vst v63  }
0x39: {  	p0 =	sne.s32 s23, $0x9E00;
	_ =	swait.ge [sflag:s20], $0x4000  }
.Ltmp0:
0x3a: {  	[sflag:s20] =	ssyncset.done $0x0;
	(pc) =	sbr.rel @p0 .LBB2_2-.Ltmp0, $4  }
0x3b: {  	s23 =	sadd.s32 $0x2800, s24;
	[sflag:s20] =	ssyncadd.s32 $0xFFFFC000  }
0x3c: {  	[spmem:s3] =	stream.indirect.scatter.add.f32 [tilespmem:s19], [sflag:$0x2], $0x80, s23, s18, $0xb8;
	[tilespmem:$0x1D000] =	vst v63  }
0x3d: {  	_ =	swait.ge [sflag:s10], $0x4000  }
0x3e: {  	s23 =	smov.u32 s25;
	[sflag:s10] =	ssyncset.done $0x0  }
0x3f: {  	s22 =	sshra.s32 s22, $0x2;
	[sflag:s10] =	ssyncadd.s32 $0xFFFFC000  }
0x40: {  	[tilespmem:s19], [sflag:$0x1] =	stream.indirect.gather [hbm4b:s2+s18], $0x80, s22, s18, $0xb8;
	[tilespmem:$0x1D000] =	vst v63  }
0x41: {  	_ =	swait.ge [sflag:s20], $0x4000  }
0x42: {  	[sflag:s20] =	ssyncset.done $0x0  }
0x43: {  	s22 =	sadd.s32 $0x2800, s22;
	[sflag:s20] =	ssyncadd.s32 $0xFFFFC000  }
0x44: {  	[spmem:s3] =	stream.indirect.scatter.add.f32 [tilespmem:s19], [sflag:$0x2], $0x80, s22, s18, $0xb8;
	[tilespmem:$0x1D000] =	vst v63  }
0x45: {  	_ =	swait.ge [sflag:s10], $0x4000  }
0x46: {  	s21 =	sadd.s32 $0x1, s21;
	[sflag:s10] =	ssyncset.done $0x0  }
0x47: {  	p0 =	sne.s32 s21, s9;
	[sflag:s10] =	ssyncadd.s32 $0xFFFFC000  }
.Ltmp1:
0x48: {  	[bflag:$0x0] =	sbarrier.arrive $0xFFFF;
	(pc) =	sbr.rel @p0 .LBB2_1-.Ltmp1, $4  }
0x49: {  	[hbm:s8], [sflag:s12] =	dma.local [spmem:s13], $0x2800  }
0x4a: {  	_ =	swait.ge [sflag:s10], $0x2800  }
0x4b: {  	[sflag:s10] =	ssyncset.done $0x0  }
0x4c: {  	[sflag:s10] =	ssyncadd.s32 $0xFFFFD800  }
0x4d: {  	_ =	sfence.sel $0x180000  }
0x4e: {  	[bflag:$0x0] =	sbarrier.arrive $0xFFFF  }
0x4f: {  	p0 =	sne.s32 s0, $0x0;
	_ =	strace $0x90000047  }
0x50: {  	s0 =	sadd.s32 @!p0 $0x100000, s1;
	[bflag:$0x2] =	sbarrier.arrive $0xFFFF  }
0x51: {  	[sflag:s0] =	ssyncadd.tile.s32 @!p0 $0x1;
	_ =	shalt  }
.Lfunc_end2:
_tile_overlayer_lowered:
.L_overlay_start_2:
0x52: {  	(tag) =	ssettag $0x2  }
0x53: {  	s0 =	rddreg [dreg:$0x0];
	s2 =	stileid.u32  }
0x54: {  	s1 =	rddreg [dreg:$0x1];
	p0 =	sne.s32 s2, $0x0  }
0x55: {  	s3 =	rddreg [dreg:$0x2];
	[bflag:$0x3] =	sbarrier.arrive $0xFFFF;
	s2 =	simm.s32 @!p0 $0x1C02  }
0x56: {  	[timem:s3], [sflag:s2] =	dma.local @!p0 [hbm:s0], s1  }
0x57: {  	s0 =	simm.s32 @!p0 $0x2  }
0x58: {  	_ =	swait.ge @!p0 [sflag:s0], s1  }
0x59: {  	s1 =	ssub.s32 @!p0 $0x0, s1;
	[sflag:s0] =	ssyncset.done @!p0 $0x0  }
0x5a: {  	[sflag:s0] =	ssyncadd.s32 @!p0 s1  }
0x5b: {  	[bflag:$0x3] =	sbarrier.arrive $0xFFFF  }
0x5c: {  	_ =	shalt  }

// kernel: kernel.16.cloned.1.call-start
scs
__scs_entry_jumppad:
0x0: {  	(pc) =	sbr.rel $0x88, $3  }
0x1: {  	(tag) =	ssettag $0x0;
	lr =	simm.s32 $0x1  }
0x2: {  	[smem:$0x3F91] =	sst lr;
	_ =	strace $0xD0000000  }
0x3: {  	_ = 	snop  }
0x4: {  	_ = 	snop  }
0x5: {  	_ = 	snop  }
0x6: {  	_ = 	snop  }
0x7: {  	_ = 	snop  }
__scs_overlays_trampoline_lowered:
0x8: {  	[smem:$0x3FA0] =	sst s0  }
0x9: {  	[smem:$0x3FA1] =	sst s1  }
0xa: {  	[smem:$0x3FA2] =	sst s2  }
0xb: {  	[smem:$0x3FA3] =	sst s3  }
0xc: {  	[smem:$0x3FA4] =	sst s4  }
0xd: {  	[smem:$0x3FA5] =	sst s5  }
0xe: {  	[smem:$0x3FA6] =	sst s6  }
0xf: {  	[smem:$0x3FA7] =	sst s7  }
0x10: {  	[smem:$0x3FA8] =	sst s8  }
0x11: {  	[smem:$0x3FA9] =	sst s9;
	s0 =	simm.s32 @!p0 $0x0  }
0x12: {  	s1 =	sld [smem:$0x3F8F];
	s0 =	simm.s32 @p0 $0x1  }
0x13: {  	[smem:$0x3FAA] =	sst s0;
	s0 =	simm.s32 @!p1 $0x0  }
0x14: {  	s2 =	sld [smem:$0x3F8E];
	s0 =	simm.s32 @p1 $0x1  }
0x15: {  	[smem:$0x3FAB] =	sst s0;
	s0 =	simm.s32 @!p2 $0x0  }
0x16: {  	s3 =	sld [smem:$0x3FDB];
	s0 =	simm.s32 @p2 $0x1  }
0x17: {  	s4 =	simm.s32 $0x1BF5;
	[smem:$0x3FAD] =	sst s0  }
0x18: {  	s0 =	sld [smem:$0x3F90];
	_ =	swait.ge [sflag:s4], $0x0  }
0x19: {  	s7 =	sld [smem:$0x3F91]  }
0x1a: {  	s8 =	sadd.s32 $0xFFFFE003, lr  }
0x1b: {  	s9 =	sadd.s32 $0xFFFFFEF7, lr;
	s5 =	simm.s32 $0xFFFFFFFF;
	p2 =	slt.u32 s8, $0xFFFFF086  }
0x1c: {  	p1 =	slt.u32 s9, $0xF7A;
	s5 =	simm.s32 @!p2 $0x0  }
0x1d: {  	s5 =	simm.s32 @p1 $0x1;
	p0 =	seq.s32 s7, s2  }
0x1e: {  	s7 =	smul.u32 @!p0 $0xF7A, s2;
	p2 =	seq.s32 @!p0 s5, $0x0  }
0x1f: {  	s9 =	smul.u32 $0xF7A, s1;
	s8 =	simm.s32 @!p0 $0x1BF5;
	p2 =	por !p2, p0  }
0x20: {  	[sflag:s8] =	ssyncset.s32 @!p0 $0xFFFFF086;
	s6 =	sadd.s32 @!p0 s3, s7;
	s7 =	simm.s32 @!p0 $0x108  }
0x21: {  	s3 =	sadd.s32 s3, s9;
	s6 =	sadd.s32 @!p0 $0x88, s6;
	s7 =	simm.s32 @p2 $0x1082  }
0x22: {  	[simem:s7], [sflag:s8] =	dma.local @!p0 [hbm:s6], $0xF7A  }
0x23: {  	s9 =	sor.u32 $0xD0000000, s2;
	s6 =	simm.s32 $0x108;
	_ =	swait.ge @!p0 [sflag:s8], $0x0  }
0x24: {  	s3 =	sadd.s32 $0x88, s3;
	s6 =	simm.s32 @!p1 $0x1082;
	[sflag:s4] =	ssyncset.s32 $0xFFFFF086  }
0x25: {  	[simem:s6], [sflag:s4] =	dma.local [hbm:s3], $0xF7A  }
0x26: {  	[smem:$0x3F91] =	sst s1;
	(tag) =	ssettag s2;
	_ =	strace s9  }
0x27: {  	s1 =	sld [smem:$0x3FA1]  }
0x28: {  	s2 =	sld [smem:$0x3FA2]  }
0x29: {  	s4 =	sld [smem:$0x3FA4]  }
0x2a: {  	p0 =	seq.s32 s5, $0x0;
	s5 =	sld [smem:$0x3FA5]  }
0x2b: {  	s6 =	sld [smem:$0x3FA6]  }
0x2c: {  	s7 =	sld [smem:$0x3FA7]  }
0x2d: {  	s3 =	simm.s32 $0x108;
	s8 =	sld [smem:$0x3FA8]  }
0x2e: {  	s3 =	simm.s32 @!p0 $0x1082;
	s9 =	sld [smem:$0x3FA9]  }
0x2f: {  	lr =	sadd.s32 s0, s3;
	s0 =	sld [smem:$0x3FA0]  }
0x30: {  	s3 =	sld [smem:$0x3FA3]  }
0x31: {  	[smem:$0x3FAC] =	sst s10  }
0x32: {  	s10 =	sld [smem:$0x3FAA];
	_ =	sdelay $0x3  }
0x33: {  	p0 =	seq.s32 s10, $0x1;
	s10 =	sld [smem:$0x3FAC];
	_ =	sdelay $0x3  }
0x34: {  	[smem:$0x3FAC] =	sst s10  }
0x35: {  	s10 =	sld [smem:$0x3FAB];
	_ =	sdelay $0x3  }
0x36: {  	p1 =	seq.s32 s10, $0x1;
	s10 =	sld [smem:$0x3FAC];
	_ =	sdelay $0x3  }
0x37: {  	[smem:$0x3FAC] =	sst s10  }
0x38: {  	s10 =	sld [smem:$0x3FAD]  }
0x39: {  	_ = 	snop;
	(pc) =	sbr.ind lr, $3  }
0x3a: {  	_ = 	snop  }
0x3b: {  	_ = 	snop  }
0x3c: {  	p2 =	seq.s32 s10, $0x1;
	s10 =	sld [smem:$0x3FAC]  }
0x3d: {  	_ =	shalt  }
0x3e: {  	_ =	shalt  }
0x3f: {  	_ =	shalt  }
0x40: {  	_ =	shalt  }
0x41: {  	_ =	shalt  }
0x42: {  	_ =	shalt  }
0x43: {  	_ =	shalt  }
0x44: {  	_ =	shalt  }
0x45: {  	_ =	shalt  }
0x46: {  	_ =	shalt  }
0x47: {  	_ =	shalt  }
0x48: {  	_ =	shalt  }
0x49: {  	_ =	shalt  }
0x4a: {  	_ =	shalt  }
0x4b: {  	_ =	shalt  }
0x4c: {  	_ =	shalt  }
0x4d: {  	_ =	shalt  }
0x4e: {  	_ =	shalt  }
0x4f: {  	_ =	shalt  }
0x50: {  	_ =	shalt  }
0x51: {  	_ =	shalt  }
0x52: {  	_ =	shalt  }
0x53: {  	_ =	shalt  }
0x54: {  	_ =	shalt  }
0x55: {  	_ =	shalt  }
0x56: {  	_ =	shalt  }
0x57: {  	_ =	shalt  }
0x58: {  	_ =	shalt  }
0x59: {  	_ =	shalt  }
0x5a: {  	_ =	shalt  }
0x5b: {  	_ =	shalt  }
0x5c: {  	_ =	shalt  }
0x5d: {  	_ =	shalt  }
0x5e: {  	_ =	shalt  }
0x5f: {  	_ =	shalt  }
0x60: {  	_ =	shalt  }
0x61: {  	_ =	shalt  }
0x62: {  	_ =	shalt  }
0x63: {  	_ =	shalt  }
0x64: {  	_ =	shalt  }
0x65: {  	_ =	shalt  }
0x66: {  	_ =	shalt  }
0x67: {  	_ =	shalt  }
0x68: {  	_ =	shalt  }
0x69: {  	_ =	shalt  }
0x6a: {  	_ =	shalt  }
0x6b: {  	_ =	shalt  }
0x6c: {  	_ =	shalt  }
0x6d: {  	_ =	shalt  }
0x6e: {  	_ =	shalt  }
0x6f: {  	_ =	shalt  }
0x70: {  	_ =	shalt  }
0x71: {  	_ =	shalt  }
0x72: {  	_ =	shalt  }
0x73: {  	_ =	shalt  }
0x74: {  	_ =	shalt  }
0x75: {  	_ =	shalt  }
0x76: {  	_ =	shalt  }
0x77: {  	_ =	shalt  }
0x78: {  	_ =	shalt  }
0x79: {  	_ =	shalt  }
0x7a: {  	_ =	shalt  }
0x7b: {  	_ =	shalt  }
0x7c: {  	_ =	shalt  }
0x7d: {  	_ =	shalt  }
0x7e: {  	_ =	shalt  }
0x7f: {  	_ =	shalt  }
0x80: {  	_ =	shalt  }
0x81: {  	_ =	shalt  }
0x82: {  	_ =	shalt  }
0x83: {  	_ =	shalt  }
0x84: {  	_ =	shalt  }
0x85: {  	_ =	shalt  }
0x86: {  	_ =	shalt  }
0x87: {  	_ =	shalt  }
.Lfunc_end0:
.L_simem_size_0:
called_computation.2_lowered:
.L_overlay_start_0:
0x88: {  	s2 =	sld [smem:$0x3FD9]  }
0x89: {  	s3 =	sld [smem:$0x3FFE];
	_ =	sdelay $0x1  }
0x8a: {  	s1 =	srdreg.scid  }
0x8b: {  	s0 =	sand.u32 $0x1, s1  }
0x8c: {  	s17 =	sshll.u32 s0, $0xA;
	s2 =	sadd.s32 s3, s2  }
0x8d: {  	s2 =	sadd.s32 s2, s17  }
0x8e: {  	[smem:$0x3FB8] =	sst s2  }
0x8f: {  	_ = 	snop  }
0x90: {  	s18 =	sld [smem:$0x3FD0];
	(tm) =	ssettm $0x1  }
0x91: {  	s19 =	sld [smem:$0x3FFB];
	_ =	sdelay $0x3  }
0x92: {  	_ =	strace s19  }
0x93: {  	s2 =	sld [smem:$0x3FFC];
	_ =	sdelay $0x3  }
0x94: {  	_ =	strace s2  }
0x95: {  	s2 =	sld [smem:$0x3FFD];
	_ =	sdelay $0x3  }
0x96: {  	_ =	strace s2  }
0x97: {  	_ =	strace $0x8FFFFFFF  }
0x98: {  	s20 =	sld [smem:$0x3FDB];
	_ =	sdelay $0x1  }
0x99: {  	s4 =	simm.s32 $_scs_section_size  }
0x9a: {  	s5 =	simm.s32 $_size__tile_overlayer_lowered;
	s6 =	simm.s32 $_tile_overlayer_lowered  }
0x9b: {  	s7 =	simm.s32 $0x1BFF;
	s21 =	sshll.u32 s6, $0x1;
	s4 =	sadd.s32 s4, s20  }
0x9c: {  	s22 =	simm.s32 $0x0;
	s5 =	sshll.u32 s5, $0x1;
	s6 =	sadd.s32 s21, s4  }
0x9d: {  	[timem:s22], [sflag:s7] =	dma.local [hbm:s6], s5  }
0x9e: {  	_ =	swait.ge [sflag:s7], s5  }
0x9f: {  	s5 =	ssub.s32 $0x0, s5;
	[sflag:s7] =	ssyncset.done $0x0  }
0xa0: {  	[sflag:s7] =	ssyncadd.s32 s5;
	_ =	sdelay $0x1  }
0xa1: {  	s23 =	simm.s32 $0x1B8B  }
0xa2: {  	_ =	swait.ge [sflag:s23], $0x1  }
0xa3: {  	[sflag:s23] =	ssyncset.done $0x0  }
0xa4: {  	[sflag:s23] =	ssyncadd.s32 $0xFFFFFFFF  }
0xa5: {  	s5 =	sld [smem:$0x0]  }
0xa6: {  	s6 =	sand.u32 $0xFFFFFFFE, s1  }
0xa7: {  	p0 =	sne.s32 s1, s6  }
0xa8: {  	s6 =	sshll.u32 @p0 s6, $0xE  }
0xa9: {  	s6 =	sadd.s32 @p0 $0x11B8D, s6;
	s7 =	sshll.u32 @p0 s5, $0x11  }
0xaa: {  	s6 =	sor.u32 @p0 s7, s6  }
0xab: {  	[sflag:s6] =	ssyncadd.remote.s32 @p0 $0x1;
	_ =	sdelay $0x1  }
0xac: {  	s6 =	simm.s32 @p0 $0x1B8D  }
0xad: {  	_ =	swait.eq @p0 [sflag:s6], $0x1  }
0xae: {  	[sflag:s6] =	ssyncadd.s32 @p0 $0xFFFFFFFF  }
0xaf: {  	s7 =	sshll.u32 @!p0 s1, $0xE  }
0xb0: {  	s7 =	sor.u32 @!p0 $0x4000, s7;
	s6 =	simm.s32 @!p0 $0x1B8D  }
0xb1: {  	s5 =	sshll.u32 @!p0 s5, $0x11;
	s7 =	sadd.s32 @!p0 $0x11B8D, s7;
	_ =	swait.eq @!p0 [sflag:s6], $0x1  }
0xb2: {  	s5 =	sor.u32 @!p0 s5, s7;
	[sflag:s6] =	ssyncadd.s32 @!p0 $0xFFFFFFFF  }
0xb3: {  	s25 =	simm.s32 $0x1B8E;
	s24 =	sld [smem:$0x3FFE];
	[sflag:s5] =	ssyncadd.remote.s32 @!p0 $0x1  }
0xb4: {  	s26 =	simm.s32 $execute0_lowered;
	[smem:$0x3FD2] =	sst s25  }
0xb5: {  	s6 =	sshll.u32 s26, $0x1;
	_ =	strace $0x8000004C;
	[dreg:$0x1] =	wrdreg $0xFFFFFFFF  }
0xb6: {  	s28 =	simm.s32 $_size_execute0_lowered;
	s4 =	sadd.s32 s4, s6;
	[dreg:$0x0] =	wrdreg $0x0  }
0xb7: {  	s6 =	sshll.u32 s28, $0x1;
	[dreg:$0x2] =	wrdreg s4  }
0xb8: {  	[dreg:$0x3] =	wrdreg s6  }
0xb9: {  	[dreg:$0x4] =	wrdreg $0xC0  }
0xba: {  	_ =	task [dreg:s22], $0x5FFFF  }
0xbb: {  	[dreg:$0x1] =	wrdreg $0xFFFFFFFF  }
0xbc: {  	[dreg:$0x0] =	wrdreg $0x60  }
0xbd: {  	[dreg:$0x2] =	wrdreg s24  }
0xbe: {  	[dreg:$0x3] =	wrdreg s18  }
0xbf: {  	[dreg:$0x4] =	wrdreg $0x90000  }
0xc0: {  	[dreg:$0x5] =	wrdreg $0xA  }
0xc1: {  	_ =	task.clear_ibuf [dreg:s22], $0x6FFFF;
	_ =	strace $0x9000004C  }
0xc2: {  	s29 =	simm.s32 $0xA;
	_ =	strace $0x8000004E  }
0xc3: {  	_ =	swait.ge [sflag:s29], $0x1  }
0xc4: {  	[sflag:s29] =	ssyncadd.s32 $0xFFFFFFFF  }
0xc5: {  	_ =	strace $0x9000004E  }
0xc6: {  	_ =	sfence  }
0xc7: {  	s30 =	sld [smem:$0x0];
	_ =	sdelay $0x2  }
0xc8: {  	s31 =	sshll.u32 s1, $0xD;
	s1 =	sshrl.u32 s1, $0x2  }
0xc9: {  	s4 =	sand.u32 $0x4000, s31;
	s1 =	sadd.s32 s1, s30  }
0xca: {  	s0 =	sor.u32 s4, s0;
	s1 =	sshll.u32 s1, $0x11  }
0xcb: {  	s0 =	sor.u32 s1, s0  }
0xcc: {  	s0 =	sadd.s32 $0x8F2B, s0  }
0xcd: {  	[sflag:s0] =	ssyncadd.remote.s32 $0x1  }
0xce: {  	_ =	sfence.sel $0xFFFF  }
0xcf: {  	[dreg:$0x0] =	wrdreg $0xFFFFFFFF;
	(pc) =	sbr.abs _section_cstart, $3  }
0xd0: {  	[dreg:$0x1] =	wrdreg $0xFFFFFFFF  }
0xd1: {  	_ =	task.clear_ibuf [dreg:s22], $0x2FFFF;
	_ =	strace $0x9FFFFFFF  }
0xd2: {  	(tm) =	ssettm $0x7FFFFFFF  }
0xd3: {  	_ =	shalt  }
tec
execute0_lowered:
.L_overlay_start_1:
0x0: {  	(tag) =	ssettag $0x1  }
0x1: {  	s1 =	srdreg.scid;
	s7 =	rddreg [dreg:$0x0]  }
0x2: {  	s0 =	stileid.u32;
	s2 =	rddreg [dreg:$0x1]  }
0x3: {  	s3 =	rddreg [dreg:$0x2];
	s4 =	simm.s32 $0x0;
	s13 =	simm.s32 $0x2800  }
0x4: {  	s20 =	simm.s32 $0x80;
	s21 =	simm.s32 $0x5000;
	s22 =	simm.s32 $0x1  }
0x5: {  	s23 =	simm.s32 $0x0;
	s8 =	sand.u32 $0x1, s1;
	s9 =	smul.u32 $0x14000, s0  }
0x6: {  	s28 =	sshll.u32 s0, $0x1;
	[smem:$0x7FF] =	sst s4;
	s11 =	smul.u32 $0x50000, s0  }
0x7: {  	s14 =	sshll.u32 s0, $0x6;
	s1 =	sor.u32 s8, s28;
	s6 =	smul.u32 $0x140000, s8  }
0x8: {  	s8 =	ssub.s32 $0x2, s8;
	s14 =	sor.u32 $0x1C02, s14;
	s5 =	smul.u32 $0x500, s1  }
0x9: {  	s1 =	rddreg [dreg:$0x3];
	_ =	strace $0x8000004D;
	s29 =	sshrl.u32 s8, $0x1  }
0xa: {  	s30 =	sshrl.u32 s11, $0x2;
	s9 =	sadd.s32 s9, s6;
	s6 =	sadd.s32 $0x17E00, s7  }
0xb: {  	s31 =	ssub.s32 s8, s29;
	s15 =	sadd.s32 s30, s3;
	s10 =	sadd.s32 s5, s7  }
0xc: {  	s5 =	sadd.s32 $0x17600, s7;
	s9 =	sshrl.u32 s9, $0x3;
	s16 =	sadd.s32 $0x4000, s15  }
0xd: {  	s17 =	sadd.s32 $0x8000, s15;
	s18 =	sadd.s32 $0xC000, s15;
	s19 =	sadd.s32 $0x10000, s15  }
0xe: {  	s11 =	smax.u32 s31, $0x1;
	s15 =	sshrl.u32 s15, $0x3;
	s12 =	sadd.s32 s9, s7  }
0xf: {  	s7 =	sadd.s32 $0xD600, s10;
	s8 =	sadd.s32 $0x3600, s10;
	s16 =	sshrl.u32 s16, $0x3  }
0x10: {  	s17 =	sshrl.u32 s17, $0x3;
	s18 =	sshrl.u32 s18, $0x3;
	s19 =	sshrl.u32 s19, $0x3  }
0x11: {  	s9 =	sadd.s32 $0x556400, s12;
	s10 =	sadd.s32 $0x5A6400, s12;
	s12 =	simm.s32 $0x2  }
.LBB2_1:
0x12: {  	[tilespmem:s4], [sflag:$0x2] =	stream.linear.gather [hbm4b:s7+s4], $0x2800, $0x38;
	[tilespmem:$0x1D000] =	vst v63  }
0x13: {  	_ =	swait.ge [sflag:s12], $0x2800  }
0x14: {  	[sflag:s12] =	ssyncset.done $0x0  }
0x15: {  	[sflag:s12] =	ssyncadd.s32 $0xFFFFD800  }
0x16: {  	[tilespmem:s13], [sflag:$0x2] =	stream.linear.gather [hbm4b:s8+s4], $0x2800, $0x38;
	[tilespmem:$0x1D000] =	vst v63  }
0x17: {  	_ =	swait.ge [sflag:s12], $0x2800  }
0x18: {  	[sflag:s12] =	ssyncset.done $0x0  }
0x19: {  	[sflag:s12] =	ssyncadd.s32 $0xFFFFD800  }
0x1a: {  	[spmem:s15], [sflag:s14] =	dma.local [hbm:s5], $0x800  }
0x1b: {  	_ =	swait.ge [sflag:s12], $0x800  }
0x1c: {  	[sflag:s12] =	ssyncset.done $0x0  }
0x1d: {  	[sflag:s12] =	ssyncadd.s32 $0xFFFFF800  }
0x1e: {  	[spmem:s16], [sflag:s14] =	dma.local [hbm:s5], $0x800  }
0x1f: {  	_ =	swait.ge [sflag:s12], $0x800  }
0x20: {  	[sflag:s12] =	ssyncset.done $0x0  }
0x21: {  	[sflag:s12] =	ssyncadd.s32 $0xFFFFF800  }
0x22: {  	[spmem:s17], [sflag:s14] =	dma.local [hbm:s5], $0x800  }
0x23: {  	_ =	swait.ge [sflag:s12], $0x800  }
0x24: {  	[sflag:s12] =	ssyncset.done $0x0  }
0x25: {  	[sflag:s12] =	ssyncadd.s32 $0xFFFFF800  }
0x26: {  	[spmem:s18], [sflag:s14] =	dma.local [hbm:s5], $0x800  }
0x27: {  	_ =	swait.ge [sflag:s12], $0x800  }
0x28: {  	[sflag:s12] =	ssyncset.done $0x0  }
0x29: {  	[sflag:s12] =	ssyncadd.s32 $0xFFFFF800  }
0x2a: {  	[spmem:s19], [sflag:s14] =	dma.local [hbm:s5], $0x800  }
0x2b: {  	_ =	swait.ge [sflag:s12], $0x800  }
0x2c: {  	[sflag:s12] =	ssyncset.done $0x0  }
0x2d: {  	[sflag:s12] =	ssyncadd.s32 $0xFFFFF800  }
0x2e: {  	s24 =	simm.s32 $0x0;
	[bflag:$0x0] =	sbarrier.arrive $0xFFFF  }
0x2f: {  	[tilespmem:s21], [sflag:$0x1] =	stream.indirect.gather [hbm4b:s2+s20], $0x80, s24, s20, $0xb8;
	[tilespmem:$0x1D000] =	vst v63  }
0x30: {  	_ =	swait.ge [sflag:s22], $0x4000  }
0x31: {  	[sflag:s22] =	ssyncset.done $0x0  }
0x32: {  	s31 =	simm.s32 $0x2800;
	[sflag:s22] =	ssyncadd.s32 $0xFFFFC000  }
0x33: {  	[spmem:s3] =	stream.indirect.scatter.add.f32 [tilespmem:s21], [sflag:$0x2], $0x80, s31, s20, $0xb8;
	[tilespmem:$0x1D000] =	vst v63  }
0x34: {  	_ =	swait.ge [sflag:s12], $0x4000  }
0x35: {  	s25 =	simm.s32 $0x400;
	s24 =	simm.s32 $0x200;
	[sflag:s12] =	ssyncset.done $0x0  }
.LBB2_2:
0x36: {  	s26 =	sshra.s32 s24, $0x2  }
0x37: {  	[sflag:s12] =	ssyncadd.s32 $0xFFFFC000;
	s24 =	smov.u32 s25;
	s28 =	sadd.s32 $0x200, s25  }
0x38: {  	[tilespmem:s21], [sflag:$0x1] =	stream.indirect.gather [hbm4b:s2+s20], $0x80, s26, s20, $0xb8;
	[tilespmem:$0x1D000] =	vst v63  }
0x39: {  	p0 =	sne.s32 s25, $0x9E00;
	_ =	swait.ge [sflag:s22], $0x4000  }
.Ltmp0:
0x3a: {  	[sflag:s22] =	ssyncset.done $0x0;
	(pc) =	sbr.rel @p0 .LBB2_2-.Ltmp0, $4  }
0x3b: {  	s25 =	sadd.s32 $0x2800, s26;
	[sflag:s22] =	ssyncadd.s32 $0xFFFFC000  }
0x3c: {  	[spmem:s3] =	stream.indirect.scatter.add.f32 [tilespmem:s21], [sflag:$0x2], $0x80, s25, s20, $0xb8;
	[tilespmem:$0x1D000] =	vst v63  }
0x3d: {  	_ =	swait.ge [sflag:s12], $0x4000  }
0x3e: {  	s25 =	smov.u32 s28;
	[sflag:s12] =	ssyncset.done $0x0  }
0x3f: {  	s24 =	sshra.s32 s24, $0x2;
	[sflag:s12] =	ssyncadd.s32 $0xFFFFC000  }
0x40: {  	[tilespmem:s21], [sflag:$0x1] =	stream.indirect.gather [hbm4b:s2+s20], $0x80, s24, s20, $0xb8;
	[tilespmem:$0x1D000] =	vst v63  }
0x41: {  	_ =	swait.ge [sflag:s22], $0x4000  }
0x42: {  	[sflag:s22] =	ssyncset.done $0x0  }
0x43: {  	s24 =	sadd.s32 $0x2800, s24;
	[sflag:s22] =	ssyncadd.s32 $0xFFFFC000  }
0x44: {  	[spmem:s3] =	stream.indirect.scatter.add.f32 [tilespmem:s21], [sflag:$0x2], $0x80, s24, s20, $0xb8;
	[tilespmem:$0x1D000] =	vst v63  }
0x45: {  	_ =	swait.ge [sflag:s12], $0x4000  }
0x46: {  	[sflag:s12] =	ssyncset.done $0x0  }
0x47: {  	[sflag:s12] =	ssyncadd.s32 $0xFFFFC000  }
0x48: {  	[bflag:$0x0] =	sbarrier.arrive $0xFFFF  }
0x49: {  	[hbm:s9], [sflag:s14] =	dma.local [spmem:s15], $0x2800  }
0x4a: {  	_ =	swait.ge [sflag:s12], $0x2800  }
0x4b: {  	[sflag:s12] =	ssyncset.done $0x0  }
0x4c: {  	[sflag:s12] =	ssyncadd.s32 $0xFFFFD800  }
0x4d: {  	[bflag:$0x0] =	sbarrier.arrive $0xFFFF  }
0x4e: {  	[spmem:s15], [sflag:s14] =	dma.local [hbm:s5], $0x800  }
0x4f: {  	_ =	swait.ge [sflag:s12], $0x800  }
0x50: {  	[sflag:s12] =	ssyncset.done $0x0  }
0x51: {  	[sflag:s12] =	ssyncadd.s32 $0xFFFFF800  }
0x52: {  	[spmem:s16], [sflag:s14] =	dma.local [hbm:s5], $0x800  }
0x53: {  	_ =	swait.ge [sflag:s12], $0x800  }
0x54: {  	[sflag:s12] =	ssyncset.done $0x0  }
0x55: {  	[sflag:s12] =	ssyncadd.s32 $0xFFFFF800  }
0x56: {  	[spmem:s17], [sflag:s14] =	dma.local [hbm:s5], $0x800  }
0x57: {  	_ =	swait.ge [sflag:s12], $0x800  }
0x58: {  	[sflag:s12] =	ssyncset.done $0x0  }
0x59: {  	[sflag:s12] =	ssyncadd.s32 $0xFFFFF800  }
0x5a: {  	[spmem:s18], [sflag:s14] =	dma.local [hbm:s5], $0x800  }
0x5b: {  	_ =	swait.ge [sflag:s12], $0x800  }
0x5c: {  	[sflag:s12] =	ssyncset.done $0x0  }
0x5d: {  	[sflag:s12] =	ssyncadd.s32 $0xFFFFF800  }
0x5e: {  	[spmem:s19], [sflag:s14] =	dma.local [hbm:s5], $0x800  }
0x5f: {  	_ =	swait.ge [sflag:s12], $0x800  }
0x60: {  	[sflag:s12] =	ssyncset.done $0x0  }
0x61: {  	[sflag:s12] =	ssyncadd.s32 $0xFFFFF800  }
0x62: {  	s30 =	simm.s32 $0x0;
	[bflag:$0x0] =	sbarrier.arrive $0xFFFF  }
0x63: {  	[tilespmem:s21], [sflag:$0x1] =	stream.indirect.gather [hbm4b:s6+s20], $0x80, s30, s20, $0xb8;
	[tilespmem:$0x1D000] =	vst v63  }
0x64: {  	_ =	swait.ge [sflag:s22], $0x4000  }
0x65: {  	[sflag:s22] =	ssyncset.done $0x0  }
0x66: {  	s31 =	simm.s32 $0x2800;
	[sflag:s22] =	ssyncadd.s32 $0xFFFFC000  }
0x67: {  	[spmem:s3] =	stream.indirect.scatter.add.f32 [tilespmem:s21], [sflag:$0x2], $0x80, s31, s20, $0xb8;
	[tilespmem:$0x1D000] =	vst v63  }
0x68: {  	_ =	swait.ge [sflag:s12], $0x4000  }
0x69: {  	s25 =	simm.s32 $0x400;
	s24 =	simm.s32 $0x200;
	[sflag:s12] =	ssyncset.done $0x0  }
.LBB2_4:
0x6a: {  	s26 =	sshra.s32 s24, $0x2  }
0x6b: {  	[sflag:s12] =	ssyncadd.s32 $0xFFFFC000;
	s24 =	smov.u32 s25;
	s28 =	sadd.s32 $0x200, s25  }
0x6c: {  	[tilespmem:s21], [sflag:$0x1] =	stream.indirect.gather [hbm4b:s6+s20], $0x80, s26, s20, $0xb8;
	[tilespmem:$0x1D000] =	vst v63  }
0x6d: {  	p0 =	sne.s32 s25, $0x9E00;
	_ =	swait.ge [sflag:s22], $0x4000  }
.Ltmp1:
0x6e: {  	[sflag:s22] =	ssyncset.done $0x0;
	(pc) =	sbr.rel @p0 .LBB2_4-.Ltmp1, $4  }
0x6f: {  	s25 =	sadd.s32 $0x2800, s26;
	[sflag:s22] =	ssyncadd.s32 $0xFFFFC000  }
0x70: {  	[spmem:s3] =	stream.indirect.scatter.add.f32 [tilespmem:s21], [sflag:$0x2], $0x80, s25, s20, $0xb8;
	[tilespmem:$0x1D000] =	vst v63  }
0x71: {  	_ =	swait.ge [sflag:s12], $0x4000  }
0x72: {  	s25 =	smov.u32 s28;
	[sflag:s12] =	ssyncset.done $0x0  }
0x73: {  	s24 =	sshra.s32 s24, $0x2;
	[sflag:s12] =	ssyncadd.s32 $0xFFFFC000  }
0x74: {  	[tilespmem:s21], [sflag:$0x1] =	stream.indirect.gather [hbm4b:s6+s20], $0x80, s24, s20, $0xb8;
	[tilespmem:$0x1D000] =	vst v63  }
0x75: {  	_ =	swait.ge [sflag:s22], $0x4000  }
0x76: {  	[sflag:s22] =	ssyncset.done $0x0  }
0x77: {  	s24 =	sadd.s32 $0x2800, s24;
	[sflag:s22] =	ssyncadd.s32 $0xFFFFC000  }
0x78: {  	[spmem:s3] =	stream.indirect.scatter.add.f32 [tilespmem:s21], [sflag:$0x2], $0x80, s24, s20, $0xb8;
	[tilespmem:$0x1D000] =	vst v63  }
0x79: {  	_ =	swait.ge [sflag:s12], $0x4000  }
0x7a: {  	s23 =	sadd.s32 $0x1, s23;
	[sflag:s12] =	ssyncset.done $0x0  }
0x7b: {  	p0 =	sne.s32 s23, s11;
	[sflag:s12] =	ssyncadd.s32 $0xFFFFC000  }
.Ltmp2:
0x7c: {  	[bflag:$0x0] =	sbarrier.arrive $0xFFFF;
	(pc) =	sbr.rel @p0 .LBB2_1-.Ltmp2, $4  }
0x7d: {  	[hbm:s10], [sflag:s14] =	dma.local [spmem:s15], $0x2800  }
0x7e: {  	_ =	swait.ge [sflag:s12], $0x2800  }
0x7f: {  	[sflag:s12] =	ssyncset.done $0x0  }
0x80: {  	[sflag:s12] =	ssyncadd.s32 $0xFFFFD800  }
0x81: {  	_ =	sfence.sel $0x180000  }
0x82: {  	[bflag:$0x0] =	sbarrier.arrive $0xFFFF  }
0x83: {  	p0 =	sne.s32 s0, $0x0;
	_ =	strace $0x9000004D  }
0x84: {  	s0 =	sadd.s32 @!p0 $0x100000, s1;
	[bflag:$0x2] =	sbarrier.arrive $0xFFFF  }
0x85: {  	[sflag:s0] =	ssyncadd.tile.s32 @!p0 $0x1;
	_ =	shalt  }
.Lfunc_end2:
_tile_overlayer_lowered:
.L_overlay_start_2:
0x86: {  	(tag) =	ssettag $0x2  }
0x87: {  	s0 =	rddreg [dreg:$0x0];
	s2 =	stileid.u32  }
0x88: {  	s1 =	rddreg [dreg:$0x1];
	p0 =	sne.s32 s2, $0x0  }
0x89: {  	s3 =	rddreg [dreg:$0x2];
	[bflag:$0x3] =	sbarrier.arrive $0xFFFF;
	s2 =	simm.s32 @!p0 $0x1C02  }
0x8a: {  	[timem:s3], [sflag:s2] =	dma.local @!p0 [hbm:s0], s1  }
0x8b: {  	s0 =	simm.s32 @!p0 $0x2  }
0x8c: {  	_ =	swait.ge @!p0 [sflag:s0], s1  }
0x8d: {  	s1 =	ssub.s32 @!p0 $0x0, s1;
	[sflag:s0] =	ssyncset.done @!p0 $0x0  }
0x8e: {  	[sflag:s0] =	ssyncadd.s32 @!p0 s1  }
0x8f: {  	[bflag:$0x3] =	sbarrier.arrive $0xFFFF  }
0x90: {  	_ =	shalt  }

</sc_bundles>
